<compile_context>
chip_gen: v7x
topology: tpu7x:2x2x1
jax: 0.10.2.dev20260603
libtpu: 0.0.44.dev20260713+nightly
codegen_flags: <defaults>
</compile_context>

<pallas_src>
import functools

import jax
import jax.numpy as jnp
from jax import lax
from jax.experimental import pallas as pl
from jax.experimental.pallas import tpu as pltpu
from jax.experimental.pallas import tpu_sc as plsc

_NC = 2
_NS = 16
_NW = _NC * _NS
_L = 16

_B = 16384
_D = 128
_BPW = _B // _NW
_CHUNK = 128
_NCHUNK = _BPW // _CHUNK
_GPC = _CHUNK // _L


def _sc_body(idx_hbm, embed_hbm, w_hbm, b_hbm, out_hbm,
             idx_v, rows_v, w_v, b_v, out_v, sems):
    wid = lax.axis_index("s") * _NC + lax.axis_index("c")
    base = wid * _BPW

    pltpu.sync_copy(idx_hbm.at[pl.ds(base, _BPW)], idx_v)
    for k in range(_NCHUNK):
        pltpu.make_async_copy(
            embed_hbm.at[idx_v.at[pl.ds(k * _CHUNK, _CHUNK)]],
            rows_v.at[pl.ds(k * _CHUNK, _CHUNK)],
            sems.at[k],
        ).start()
    pltpu.sync_copy(w_hbm, w_v)
    pltpu.sync_copy(b_hbm, b_v.at[pl.ds(0, 1)])

    wc = [w_v[pl.ds(16 * c, 16)] for c in range(_D // _L)]

    lanes = lax.iota(jnp.int32, 16)
    perms = [lanes ^ (1 << m) for m in range(4)]
    masks = [(lanes & (1 << m)) == 0 for m in range(4)]
    _dnums = lax.GatherDimensionNumbers(
        offset_dims=(), collapsed_slice_dims=(0,), start_index_map=(0,))

    def _permute(v, pm):
        return lax.gather(
            v, pm[:, None], dimension_numbers=_dnums, slice_sizes=(1,),
            mode=lax.GatherScatterMode.PROMISE_IN_BOUNDS)

    def _hsum16(vecs):
        for m in range(4):
            pm, msk = perms[m], masks[m]
            nxt = []
            for j in range(0, len(vecs), 2):
                pa = vecs[j] + _permute(vecs[j], pm)
                pb = vecs[j + 1] + _permute(vecs[j + 1], pm)
                nxt.append(jnp.where(msk, pa, pb))
            vecs = nxt
        return vecs[0]

    bias = _permute(b_v[:], lanes * 0)

    def group_body(g, carry):
        @pl.when(g % _GPC == 0)
        def _wait_chunk():
            k = g // _GPC
            pltpu.make_async_copy(
                embed_hbm.at[idx_v.at[pl.ds(k * _CHUNK, _CHUNK)]],
                rows_v.at[pl.ds(k * _CHUNK, _CHUNK)],
                sems.at[k],
            ).wait()

        svecs = []
        for k in range(_L):
            i = g * _L + k
            p = [rows_v[i, pl.ds(16 * c, 16)] * wc[c] for c in range(_D // _L)]
            svecs.append(((p[0] + p[1]) + (p[2] + p[3]))
                         + ((p[4] + p[5]) + (p[6] + p[7])))
        acc = bias + _hsum16(svecs)
        h = jnp.maximum(acc, 0.0)
        r = 1.0 / (1.0 + jnp.exp(-h))
        out_v[pl.ds(g * _L, 16)] = r
        return carry

    lax.fori_loop(0, _NCHUNK * _GPC, group_body, 0)

    pltpu.sync_copy(out_v, out_hbm.at[pl.ds(base, _BPW)])


@jax.jit
def _classify(idx, embed, w, b):
    mesh = plsc.VectorSubcoreMesh(core_axis_name="c", subcore_axis_name="s")
    f = functools.partial(
        pl.kernel,
        mesh=mesh,
        out_type=jax.ShapeDtypeStruct((_B,), jnp.float32),
        scratch_types=[
            pltpu.VMEM((_BPW,), jnp.int32),
            pltpu.VMEM((_BPW, _D), jnp.float32),
            pltpu.VMEM((_D,), jnp.float32),
            pltpu.VMEM((_L,), jnp.float32),
            pltpu.VMEM((_BPW,), jnp.float32),
            pltpu.SemaphoreType.DMA((_NCHUNK,)),
        ],
    )(_sc_body)
    return f(idx, embed, w, b)


def kernel(x, embed, W, b):
    idx = x[:, 0].astype(jnp.int32)
    w = W.reshape(_D).astype(jnp.float32)
    out = _classify(idx, embed.astype(jnp.float32), w, b.astype(jnp.float32))
    return out.reshape(_B, 1)

# --- scband reference (transcript-rebuilt; emitter-appended) ---
"""Pipeline reference for scband-text-classifier-56401510531670 (READ-ONLY COPY).

The authoritative reference and input builder live on the scoring server;
editing this copy changes nothing except your own understanding.
"""

import jax, jax.numpy as jnp
import numpy as np


def setup_inputs(seed: int = 0) -> dict:
    key = jax.random.key(seed)
    k1, k2, k3 = jax.random.split(key, 3)
    x = jax.random.randint(k1, (16384, 200), 0, 100001)
    embed = jax.random.normal(k2, (100001, 128), dtype=jnp.float32) * 0.02
    W = jax.random.normal(k3, (1, 128), dtype=jnp.float32) * 0.1
    b = jnp.zeros((1,), dtype=jnp.float32)
    return {"x": x, "embed": embed, "W": W, "b": b}


def reference(x, embed, W, b):
    # emb = self.embed(x)
    emb = jnp.take(embed, x, axis=0)  # [B, L, D]
    # pooled = emb[:, 0, :]
    pooled = emb[:, 0, :]  # [B, D]
    # x = F.relu(self.fc(pooled))
    h = jax.nn.relu(pooled @ W.T + b)  # [B, 1]
    # torch.sigmoid(x)
    return jax.nn.sigmoid(h)

if __name__ == "__main__":
    import jax
    _d = setup_inputs()
    print(jax.jit(kernel)(*tuple(_d.values())))

</pallas_src>

<mosaic_0001>
#map = affine_map<(d0, d1) -> (0)>
#map1 = affine_map<(d0, d1) -> (0, 0)>
module attributes {stable_mosaic.version = 14 : i64} {
  func.func @_sc_body(%arg0: i32, %arg1: i32, %arg2: memref<16384xi32, #tpu.memory_space<hbm>>, %arg3: memref<100001x128xf32, #tpu.memory_space<hbm>>, %arg4: memref<128xf32, #tpu.memory_space<hbm>>, %arg5: memref<1xf32, #tpu.memory_space<hbm>>, %arg6: memref<16384xf32, #tpu.memory_space<hbm>>, %arg7: memref<512xi32, #tpu.memory_space<vmem>>, %arg8: memref<512x128xf32, #tpu.memory_space<vmem>>, %arg9: memref<128xf32, #tpu.memory_space<vmem>>, %arg10: memref<16xf32, #tpu.memory_space<vmem>>, %arg11: memref<512xf32, #tpu.memory_space<vmem>>, %arg12: memref<4x!tpu.dma_semaphore, #tpu.memory_space<semaphore_mem>>) attributes {dimension_semantics = [#tpu.dimension_semantics<core_parallel>, #tpu.dimension_semantics<subcore_parallel>], iteration_bounds = array<i64: 2, 16>, scalar_prefetch = 0 : i64, scratch_operands = 6 : i64, tpu.core_type = #tpu.core_type<sc_vector_subcore>, window_params = [{transform_indices = #map}, {transform_indices = #map1}, {transform_indices = #map}, {transform_indices = #map}, {transform_indices = #map}]} {
    %mul3A = arith.constant 2 : i32
    %mul3A_0 = arith.muli %arg1, %mul3A : i32
    %add3A = arith.addi %mul3A_0, %arg0 : i32
    %mul3A_1 = arith.constant 512 : i32
    %mul3A_2 = arith.muli %add3A, %mul3A_1 : i32
    "tpu.region"() ({
      %run_scoped3A = tpu.sem_alloc : memref<!tpu.dma_semaphore, #tpu.memory_space<semaphore_mem>>
      %dma_start3A_114 = tpu.memref_slice %arg2[%mul3A_2] : memref<16384xi32, #tpu.memory_space<hbm>> -> memref<512xi32, #tpu.memory_space<hbm>>
      %dma_start3A_115 = tpu.memref_slice %arg2[%mul3A_2] : memref<16384xi32, #tpu.memory_space<hbm>> -> memref<512xi32, #tpu.memory_space<hbm>>
      tpu.enqueue_dma source(%dma_start3A_115 : memref<512xi32, #tpu.memory_space<hbm>>) target(%arg7 : memref<512xi32, #tpu.memory_space<vmem>>) target_semaphore(%run_scoped3A : memref<!tpu.dma_semaphore, #tpu.memory_space<semaphore_mem>>)
      %dma_wait3A = tpu.memref_slice %arg2[%mul3A_2] : memref<16384xi32, #tpu.memory_space<hbm>> -> memref<512xi32, #tpu.memory_space<hbm>>
      %dma_wait3A_116 = tpu.memref_slice %arg2[%mul3A_2] : memref<16384xi32, #tpu.memory_space<hbm>> -> memref<512xi32, #tpu.memory_space<hbm>>
      tpu.wait_dma2 semaphore(%run_scoped3A : memref<!tpu.dma_semaphore, #tpu.memory_space<semaphore_mem>>) src(%dma_wait3A_116 : memref<512xi32, #tpu.memory_space<hbm>>) dst(%arg7 : memref<512xi32, #tpu.memory_space<vmem>>)
      tpu.yield
    }) : () -> ()
    %dma_start3A = arith.constant 0 : i32
    %dma_start3A_3 = arith.constant 0 : i32
    %dma_start3A_4 = arith.constant 0 : i32
    %dma_start3A_5 = tpu.memref_slice %arg8[%dma_start3A_3, %dma_start3A_4] : memref<512x128xf32, #tpu.memory_space<vmem>> -> memref<128x128xf32, #tpu.memory_space<vmem>>
    %dma_start3A_6 = arith.constant 0 : i32
    %dma_start3A_7 = tpu.memref_slice %arg7[%dma_start3A_6] : memref<512xi32, #tpu.memory_space<vmem>> -> memref<128xi32, #tpu.memory_space<vmem>>
    %dma_start3A_8 = arith.constant 0 : i32
    %dma_start3A_9 = arith.constant 0 : i32
    %dma_start3A_10 = tpu.memref_slice %arg3[%dma_start3A_8, %dma_start3A_9] : memref<100001x128xf32, #tpu.memory_space<hbm>> -> memref<100001x128xf32, #tpu.memory_space<hbm>>
    %dma_start3A_11 = tpu.memref_slice %arg12[%dma_start3A] : memref<4x!tpu.dma_semaphore, #tpu.memory_space<semaphore_mem>> -> memref<1x!tpu.dma_semaphore, #tpu.memory_space<semaphore_mem>>
    %dma_start3A_12 = tpu.memref_squeeze %dma_start3A_11 : memref<1x!tpu.dma_semaphore, #tpu.memory_space<semaphore_mem>> -> memref<!tpu.dma_semaphore, #tpu.memory_space<semaphore_mem>>
    tpu.enqueue_indirect_dma source(%dma_start3A_10 : memref<100001x128xf32, #tpu.memory_space<hbm>>) target(%dma_start3A_5 : memref<128x128xf32, #tpu.memory_space<vmem>>) offsets(%dma_start3A_7 : memref<128xi32, #tpu.memory_space<vmem>>) semaphore(%dma_start3A_12 : memref<!tpu.dma_semaphore, #tpu.memory_space<semaphore_mem>>)
    %dma_start3A_13 = arith.constant 1 : i32
    %dma_start3A_14 = arith.constant 128 : i32
    %dma_start3A_15 = arith.constant 0 : i32
    %dma_start3A_16 = tpu.memref_slice %arg8[%dma_start3A_14, %dma_start3A_15] : memref<512x128xf32, #tpu.memory_space<vmem>> -> memref<128x128xf32, #tpu.memory_space<vmem>>
    %dma_start3A_17 = arith.constant 128 : i32
    %dma_start3A_18 = tpu.memref_slice %arg7[%dma_start3A_17] : memref<512xi32, #tpu.memory_space<vmem>> -> memref<128xi32, #tpu.memory_space<vmem>>
    %dma_start3A_19 = arith.constant 0 : i32
    %dma_start3A_20 = arith.constant 0 : i32
    %dma_start3A_21 = tpu.memref_slice %arg3[%dma_start3A_19, %dma_start3A_20] : memref<100001x128xf32, #tpu.memory_space<hbm>> -> memref<100001x128xf32, #tpu.memory_space<hbm>>
    %dma_start3A_22 = tpu.memref_slice %arg12[%dma_start3A_13] : memref<4x!tpu.dma_semaphore, #tpu.memory_space<semaphore_mem>> -> memref<1x!tpu.dma_semaphore, #tpu.memory_space<semaphore_mem>>
    %dma_start3A_23 = tpu.memref_squeeze %dma_start3A_22 : memref<1x!tpu.dma_semaphore, #tpu.memory_space<semaphore_mem>> -> memref<!tpu.dma_semaphore, #tpu.memory_space<semaphore_mem>>
    tpu.enqueue_indirect_dma source(%dma_start3A_21 : memref<100001x128xf32, #tpu.memory_space<hbm>>) target(%dma_start3A_16 : memref<128x128xf32, #tpu.memory_space<vmem>>) offsets(%dma_start3A_18 : memref<128xi32, #tpu.memory_space<vmem>>) semaphore(%dma_start3A_23 : memref<!tpu.dma_semaphore, #tpu.memory_space<semaphore_mem>>)
    %dma_start3A_24 = arith.constant 2 : i32
    %dma_start3A_25 = arith.constant 256 : i32
    %dma_start3A_26 = arith.constant 0 : i32
    %dma_start3A_27 = tpu.memref_slice %arg8[%dma_start3A_25, %dma_start3A_26] : memref<512x128xf32, #tpu.memory_space<vmem>> -> memref<128x128xf32, #tpu.memory_space<vmem>>
    %dma_start3A_28 = arith.constant 256 : i32
    %dma_start3A_29 = tpu.memref_slice %arg7[%dma_start3A_28] : memref<512xi32, #tpu.memory_space<vmem>> -> memref<128xi32, #tpu.memory_space<vmem>>
    %dma_start3A_30 = arith.constant 0 : i32
    %dma_start3A_31 = arith.constant 0 : i32
    %dma_start3A_32 = tpu.memref_slice %arg3[%dma_start3A_30, %dma_start3A_31] : memref<100001x128xf32, #tpu.memory_space<hbm>> -> memref<100001x128xf32, #tpu.memory_space<hbm>>
    %dma_start3A_33 = tpu.memref_slice %arg12[%dma_start3A_24] : memref<4x!tpu.dma_semaphore, #tpu.memory_space<semaphore_mem>> -> memref<1x!tpu.dma_semaphore, #tpu.memory_space<semaphore_mem>>
    %dma_start3A_34 = tpu.memref_squeeze %dma_start3A_33 : memref<1x!tpu.dma_semaphore, #tpu.memory_space<semaphore_mem>> -> memref<!tpu.dma_semaphore, #tpu.memory_space<semaphore_mem>>
    tpu.enqueue_indirect_dma source(%dma_start3A_32 : memref<100001x128xf32, #tpu.memory_space<hbm>>) target(%dma_start3A_27 : memref<128x128xf32, #tpu.memory_space<vmem>>) offsets(%dma_start3A_29 : memref<128xi32, #tpu.memory_space<vmem>>) semaphore(%dma_start3A_34 : memref<!tpu.dma_semaphore, #tpu.memory_space<semaphore_mem>>)
    %dma_start3A_35 = arith.constant 3 : i32
    %dma_start3A_36 = arith.constant 384 : i32
    %dma_start3A_37 = arith.constant 0 : i32
    %dma_start3A_38 = tpu.memref_slice %arg8[%dma_start3A_36, %dma_start3A_37] : memref<512x128xf32, #tpu.memory_space<vmem>> -> memref<128x128xf32, #tpu.memory_space<vmem>>
    %dma_start3A_39 = arith.constant 384 : i32
    %dma_start3A_40 = tpu.memref_slice %arg7[%dma_start3A_39] : memref<512xi32, #tpu.memory_space<vmem>> -> memref<128xi32, #tpu.memory_space<vmem>>
    %dma_start3A_41 = arith.constant 0 : i32
    %dma_start3A_42 = arith.constant 0 : i32
    %dma_start3A_43 = tpu.memref_slice %arg3[%dma_start3A_41, %dma_start3A_42] : memref<100001x128xf32, #tpu.memory_space<hbm>> -> memref<100001x128xf32, #tpu.memory_space<hbm>>
    %dma_start3A_44 = tpu.memref_slice %arg12[%dma_start3A_35] : memref<4x!tpu.dma_semaphore, #tpu.memory_space<semaphore_mem>> -> memref<1x!tpu.dma_semaphore, #tpu.memory_space<semaphore_mem>>
    %dma_start3A_45 = tpu.memref_squeeze %dma_start3A_44 : memref<1x!tpu.dma_semaphore, #tpu.memory_space<semaphore_mem>> -> memref<!tpu.dma_semaphore, #tpu.memory_space<semaphore_mem>>
    tpu.enqueue_indirect_dma source(%dma_start3A_43 : memref<100001x128xf32, #tpu.memory_space<hbm>>) target(%dma_start3A_38 : memref<128x128xf32, #tpu.memory_space<vmem>>) offsets(%dma_start3A_40 : memref<128xi32, #tpu.memory_space<vmem>>) semaphore(%dma_start3A_45 : memref<!tpu.dma_semaphore, #tpu.memory_space<semaphore_mem>>)
    "tpu.region"() ({
      %run_scoped3A = tpu.sem_alloc : memref<!tpu.dma_semaphore, #tpu.memory_space<semaphore_mem>>
      tpu.enqueue_dma source(%arg4 : memref<128xf32, #tpu.memory_space<hbm>>) target(%arg9 : memref<128xf32, #tpu.memory_space<vmem>>) target_semaphore(%run_scoped3A : memref<!tpu.dma_semaphore, #tpu.memory_space<semaphore_mem>>)
      tpu.wait_dma2 semaphore(%run_scoped3A : memref<!tpu.dma_semaphore, #tpu.memory_space<semaphore_mem>>) src(%arg4 : memref<128xf32, #tpu.memory_space<hbm>>) dst(%arg9 : memref<128xf32, #tpu.memory_space<vmem>>)
      tpu.yield
    }) : () -> ()
    "tpu.region"() ({
      %run_scoped3A = tpu.sem_alloc : memref<!tpu.dma_semaphore, #tpu.memory_space<semaphore_mem>>
      %dma_start3A_114 = arith.constant 0 : i32
      %dma_start3A_115 = tpu.memref_slice %arg10[%dma_start3A_114] : memref<16xf32, #tpu.memory_space<vmem>> -> memref<1xf32, #tpu.memory_space<vmem>>
      %dma_start3A_116 = arith.constant 0 : i32
      %dma_start3A_117 = tpu.memref_slice %arg10[%dma_start3A_116] : memref<16xf32, #tpu.memory_space<vmem>> -> memref<1xf32, #tpu.memory_space<vmem>>
      tpu.enqueue_dma source(%arg5 : memref<1xf32, #tpu.memory_space<hbm>>) target(%dma_start3A_117 : memref<1xf32, #tpu.memory_space<vmem>>) target_semaphore(%run_scoped3A : memref<!tpu.dma_semaphore, #tpu.memory_space<semaphore_mem>>)
      %dma_wait3A = arith.constant 0 : i32
      %dma_wait3A_118 = tpu.memref_slice %arg10[%dma_wait3A] : memref<16xf32, #tpu.memory_space<vmem>> -> memref<1xf32, #tpu.memory_space<vmem>>
      %dma_wait3A_119 = arith.constant 0 : i32
      %dma_wait3A_120 = tpu.memref_slice %arg10[%dma_wait3A_119] : memref<16xf32, #tpu.memory_space<vmem>> -> memref<1xf32, #tpu.memory_space<vmem>>
      tpu.wait_dma2 semaphore(%run_scoped3A : memref<!tpu.dma_semaphore, #tpu.memory_space<semaphore_mem>>) src(%arg5 : memref<1xf32, #tpu.memory_space<hbm>>) dst(%dma_wait3A_120 : memref<1xf32, #tpu.memory_space<vmem>>)
      tpu.yield
    }) : () -> ()
    %get3A = arith.constant 0 : index
    %get3A_46 = tpu.vector_load %arg9[%get3A] {strides = array<i32>} : memref<128xf32, #tpu.memory_space<vmem>>, vector<16xf32>,
    %get3A_47 = vector.shape_cast %get3A_46 : vector<16xf32> to vector<16xf32>
    %get3A_48 = arith.constant 16 : index
    %get3A_49 = tpu.vector_load %arg9[%get3A_48] {strides = array<i32>} : memref<128xf32, #tpu.memory_space<vmem>>, vector<16xf32>,
    %get3A_50 = vector.shape_cast %get3A_49 : vector<16xf32> to vector<16xf32>
    %get3A_51 = arith.constant 32 : index
    %get3A_52 = tpu.vector_load %arg9[%get3A_51] {strides = array<i32>} : memref<128xf32, #tpu.memory_space<vmem>>, vector<16xf32>,
    %get3A_53 = vector.shape_cast %get3A_52 : vector<16xf32> to vector<16xf32>
    %get3A_54 = arith.constant 48 : index
    %get3A_55 = tpu.vector_load %arg9[%get3A_54] {strides = array<i32>} : memref<128xf32, #tpu.memory_space<vmem>>, vector<16xf32>,
    %get3A_56 = vector.shape_cast %get3A_55 : vector<16xf32> to vector<16xf32>
    %get3A_57 = arith.constant 64 : index
    %get3A_58 = tpu.vector_load %arg9[%get3A_57] {strides = array<i32>} : memref<128xf32, #tpu.memory_space<vmem>>, vector<16xf32>,
    %get3A_59 = vector.shape_cast %get3A_58 : vector<16xf32> to vector<16xf32>
    %get3A_60 = arith.constant 80 : index
    %get3A_61 = tpu.vector_load %arg9[%get3A_60] {strides = array<i32>} : memref<128xf32, #tpu.memory_space<vmem>>, vector<16xf32>,
    %get3A_62 = vector.shape_cast %get3A_61 : vector<16xf32> to vector<16xf32>
    %get3A_63 = arith.constant 96 : index
    %get3A_64 = tpu.vector_load %arg9[%get3A_63] {strides = array<i32>} : memref<128xf32, #tpu.memory_space<vmem>>, vector<16xf32>,
    %get3A_65 = vector.shape_cast %get3A_64 : vector<16xf32> to vector<16xf32>
    %get3A_66 = arith.constant 112 : index
    %get3A_67 = tpu.vector_load %arg9[%get3A_66] {strides = array<i32>} : memref<128xf32, #tpu.memory_space<vmem>>, vector<16xf32>,
    %get3A_68 = vector.shape_cast %get3A_67 : vector<16xf32> to vector<16xf32>
    %iota3A = tpu.iota {dimensions = array<i32: 0>} : vector<16xi32>
    %xor3A = arith.constant 1 : i32
    %xor3A_69 = vector.broadcast %xor3A : i32 to vector<16xi32>
    %xor3A_70 = arith.xori %iota3A, %xor3A_69 : vector<16xi32>
    %xor3A_71 = arith.constant 2 : i32
    %xor3A_72 = vector.broadcast %xor3A_71 : i32 to vector<16xi32>
    %xor3A_73 = arith.xori %iota3A, %xor3A_72 : vector<16xi32>
    %xor3A_74 = arith.constant 4 : i32
    %xor3A_75 = vector.broadcast %xor3A_74 : i32 to vector<16xi32>
    %xor3A_76 = arith.xori %iota3A, %xor3A_75 : vector<16xi32>
    %xor3A_77 = arith.constant 8 : i32
    %xor3A_78 = vector.broadcast %xor3A_77 : i32 to vector<16xi32>
    %xor3A_79 = arith.xori %iota3A, %xor3A_78 : vector<16xi32>
    %and3A = arith.constant 1 : i32
    %and3A_80 = vector.broadcast %and3A : i32 to vector<16xi32>
    %and3A_81 = arith.andi %iota3A, %and3A_80 : vector<16xi32>
    %eq3A = arith.constant 0 : i32
    %eq3A_82 = vector.broadcast %eq3A : i32 to vector<16xi32>
    %eq3A_83 = arith.cmpi eq, %and3A_81, %eq3A_82 : vector<16xi32>
    %and3A_84 = arith.constant 2 : i32
    %and3A_85 = vector.broadcast %and3A_84 : i32 to vector<16xi32>
    %and3A_86 = arith.andi %iota3A, %and3A_85 : vector<16xi32>
    %eq3A_87 = arith.constant 0 : i32
    %eq3A_88 = vector.broadcast %eq3A_87 : i32 to vector<16xi32>
    %eq3A_89 = arith.cmpi eq, %and3A_86, %eq3A_88 : vector<16xi32>
    %and3A_90 = arith.constant 4 : i32
    %and3A_91 = vector.broadcast %and3A_90 : i32 to vector<16xi32>
    %and3A_92 = arith.andi %iota3A, %and3A_91 : vector<16xi32>
    %eq3A_93 = arith.constant 0 : i32
    %eq3A_94 = vector.broadcast %eq3A_93 : i32 to vector<16xi32>
    %eq3A_95 = arith.cmpi eq, %and3A_92, %eq3A_94 : vector<16xi32>
    %and3A_96 = arith.constant 8 : i32
    %and3A_97 = vector.broadcast %and3A_96 : i32 to vector<16xi32>
    %and3A_98 = arith.andi %iota3A, %and3A_97 : vector<16xi32>
    %eq3A_99 = arith.constant 0 : i32
    %eq3A_100 = vector.broadcast %eq3A_99 : i32 to vector<16xi32>
    %eq3A_101 = arith.cmpi eq, %and3A_98, %eq3A_100 : vector<16xi32>
    %get3A_102 = arith.constant 0 : index
    %get3A_103 = tpu.vector_load %arg10[%get3A_102] {strides = array<i32>} : memref<16xf32, #tpu.memory_space<vmem>>, vector<16xf32>,
    %get3A_104 = vector.shape_cast %get3A_103 : vector<16xf32> to vector<16xf32>
    %mul3A_105 = arith.constant 0 : i32
    %mul3A_106 = vector.broadcast %mul3A_105 : i32 to vector<16xi32>
    %mul3A_107 = arith.muli %iota3A, %mul3A_106 : vector<16xi32>
    %broadcast_in_dim3A = vector.shape_cast %mul3A_107 : vector<16xi32> to vector<16x1xi32>
    %gather3A = vector.shape_cast %broadcast_in_dim3A : vector<16x1xi32> to vector<16xi32>
    %gather3A_108 = tpu.dynamic_gather %get3A_104[%gather3A] in [0] : vector<16xf32>, vector<16xi32> -> vector<16xf32>
    %scan3A = arith.constant 0 : i32
    %scan3A_109 = arith.constant 0 : i32
    %scan3A_110 = arith.constant 32 : i32
    %scan3A_111 = arith.addi %scan3A_109, %scan3A_110 : i32
    %scan3A_112 = arith.constant 1 : i32
    scf.for %scan3A_114 = %scan3A_109 to %scan3A_111 step %scan3A_112  : i32 {
      %jit3A = arith.constant 8 : i32
      %eq3A_115 = arith.constant 0 : i32
      %eq3A_116 = arith.cmpi eq, %jit3A, %eq3A_115 : i32
      %jit3A_117 = arith.constant 1 : i32
      %select_n3A = arith.select %eq3A_116, %jit3A_117, %jit3A : i32
      %rem3A = arith.remsi %scan3A_114, %select_n3A : i32
      %ne3A = arith.constant 0 : i32
      %ne3A_118 = arith.cmpi ne, %rem3A, %ne3A : i32
      %lt3A = arith.constant 0 : i32
      %lt3A_119 = arith.cmpi slt, %rem3A, %lt3A : i32
      %lt3A_120 = arith.constant 0 : i32
      %lt3A_121 = arith.cmpi slt, %select_n3A, %lt3A_120 : i32
      %ne3A_122 = arith.xori %lt3A_119, %lt3A_121 : i1
      %and3A_123 = arith.andi %ne3A_122, %ne3A_118 : i1
      %add3A_124 = arith.addi %rem3A, %select_n3A : i32
      %select_n3A_125 = arith.select %and3A_123, %add3A_124, %rem3A : i32
      %eq3A_126 = arith.constant 0 : i32
      %eq3A_127 = arith.cmpi eq, %select_n3A_125, %eq3A_126 : i32
      %convert_element_type3A = arith.extui %eq3A_127 : i1 to i32
      %cond3A = arith.constant 0 : i32
      %cond3A_128 = arith.cmpi ne, %convert_element_type3A, %cond3A : i32
      scf.if %cond3A_128 {
        %jit3A_1095 = arith.constant 8 : i32
        %div3A_1096 = arith.divsi %scan3A_114, %jit3A_1095 : i32
        %sign3A = arith.constant 0 : i32
        %sign3A_1097 = arith.cmpi sgt, %scan3A_114, %sign3A : i32
        %sign3A_1098 = arith.extui %sign3A_1097 : i1 to i32
        %sign3A_1099 = arith.constant 0 : i32
        %sign3A_1100 = arith.cmpi slt, %scan3A_114, %sign3A_1099 : i32
        %sign3A_1101 = arith.extui %sign3A_1100 : i1 to i32
        %sign3A_1102 = arith.subi %sign3A_1098, %sign3A_1101 : i32
        %sign3A_1103 = arith.constant 0 : i32
        %sign3A_1104 = arith.cmpi sgt, %jit3A_1095, %sign3A_1103 : i32
        %sign3A_1105 = arith.extui %sign3A_1104 : i1 to i32
        %sign3A_1106 = arith.constant 0 : i32
        %sign3A_1107 = arith.cmpi slt, %jit3A_1095, %sign3A_1106 : i32
        %sign3A_1108 = arith.extui %sign3A_1107 : i1 to i32
        %sign3A_1109 = arith.subi %sign3A_1105, %sign3A_1108 : i32
        %ne3A_1110 = arith.cmpi ne, %sign3A_1102, %sign3A_1109 : i32
        %rem3A_1111 = arith.remsi %scan3A_114, %jit3A_1095 : i32
        %ne3A_1112 = arith.constant 0 : i32
        %ne3A_1113 = arith.cmpi ne, %rem3A_1111, %ne3A_1112 : i32
        %and3A_1114 = arith.andi %ne3A_1110, %ne3A_1113 : i1
        %sub3A = arith.constant 1 : i32
        %sub3A_1115 = arith.subi %div3A_1096, %sub3A : i32
        %select_n3A_1116 = arith.select %and3A_1114, %sub3A_1115, %div3A_1096 : i32
        %mul3A_1117 = arith.constant 128 : i32
        %mul3A_1118 = arith.muli %select_n3A_1116, %mul3A_1117 : i32
        %mul3A_1119 = arith.constant 128 : i32
        %mul3A_1120 = arith.muli %select_n3A_1116, %mul3A_1119 : i32
        %dma_wait3A = arith.constant 0 : i32
        %dma_wait3A_1121 = tpu.memref_slice %arg8[%mul3A_1120, %dma_wait3A] : memref<512x128xf32, #tpu.memory_space<vmem>> -> memref<128x128xf32, #tpu.memory_space<vmem>>
        %dma_wait3A_1122 = tpu.memref_slice %arg7[%mul3A_1118] : memref<512xi32, #tpu.memory_space<vmem>> -> memref<128xi32, #tpu.memory_space<vmem>>
        %dma_wait3A_1123 = arith.constant 0 : i32
        %dma_wait3A_1124 = arith.constant 0 : i32
        %dma_wait3A_1125 = tpu.memref_slice %arg3[%dma_wait3A_1123, %dma_wait3A_1124] : memref<100001x128xf32, #tpu.memory_space<hbm>> -> memref<100001x128xf32, #tpu.memory_space<hbm>>
        %dma_wait3A_1126 = tpu.memref_slice %arg12[%select_n3A_1116] : memref<4x!tpu.dma_semaphore, #tpu.memory_space<semaphore_mem>> -> memref<1x!tpu.dma_semaphore, #tpu.memory_space<semaphore_mem>>
        %dma_wait3A_1127 = tpu.memref_squeeze %dma_wait3A_1126 : memref<1x!tpu.dma_semaphore, #tpu.memory_space<semaphore_mem>> -> memref<!tpu.dma_semaphore, #tpu.memory_space<semaphore_mem>>
        tpu.wait_indirect_dma semaphore(%dma_wait3A_1127 : memref<!tpu.dma_semaphore, #tpu.memory_space<semaphore_mem>>) src(%dma_wait3A_1125 : memref<100001x128xf32, #tpu.memory_space<hbm>>) dst(%dma_wait3A_1121 : memref<128x128xf32, #tpu.memory_space<vmem>>)
      } else {
      }
      %mul3A_129 = arith.constant 16 : i32
      %mul3A_130 = arith.muli %scan3A_114, %mul3A_129 : i32
      %add3A_131 = arith.constant 0 : i32
      %add3A_132 = arith.addi %mul3A_130, %add3A_131 : i32
      %get3A_133 = arith.index_cast %add3A_132 : i32 to index
      %get3A_134 = arith.constant 0 : index
      %get3A_135 = tpu.vector_load %arg8[%get3A_133, %get3A_134] {strides = array<i32>} : memref<512x128xf32, #tpu.memory_space<vmem>>, vector<1x16xf32>,
      %get3A_136 = vector.shape_cast %get3A_135 : vector<1x16xf32> to vector<16xf32>
      %mul3A_137 = arith.mulf %get3A_136, %get3A_47 : vector<16xf32>
      %get3A_138 = arith.index_cast %add3A_132 : i32 to index
      %get3A_139 = arith.constant 16 : index
      %get3A_140 = tpu.vector_load %arg8[%get3A_138, %get3A_139] {strides = array<i32>} : memref<512x128xf32, #tpu.memory_space<vmem>>, vector<1x16xf32>,
      %get3A_141 = vector.shape_cast %get3A_140 : vector<1x16xf32> to vector<16xf32>
      %mul3A_142 = arith.mulf %get3A_141, %get3A_50 : vector<16xf32>
      %get3A_143 = arith.index_cast %add3A_132 : i32 to index
      %get3A_144 = arith.constant 32 : index
      %get3A_145 = tpu.vector_load %arg8[%get3A_143, %get3A_144] {strides = array<i32>} : memref<512x128xf32, #tpu.memory_space<vmem>>, vector<1x16xf32>,
      %get3A_146 = vector.shape_cast %get3A_145 : vector<1x16xf32> to vector<16xf32>
      %mul3A_147 = arith.mulf %get3A_146, %get3A_53 : vector<16xf32>
      %get3A_148 = arith.index_cast %add3A_132 : i32 to index
      %get3A_149 = arith.constant 48 : index
      %get3A_150 = tpu.vector_load %arg8[%get3A_148, %get3A_149] {strides = array<i32>} : memref<512x128xf32, #tpu.memory_space<vmem>>, vector<1x16xf32>,
      %get3A_151 = vector.shape_cast %get3A_150 : vector<1x16xf32> to vector<16xf32>
      %mul3A_152 = arith.mulf %get3A_151, %get3A_56 : vector<16xf32>
      %get3A_153 = arith.index_cast %add3A_132 : i32 to index
      %get3A_154 = arith.constant 64 : index
      %get3A_155 = tpu.vector_load %arg8[%get3A_153, %get3A_154] {strides = array<i32>} : memref<512x128xf32, #tpu.memory_space<vmem>>, vector<1x16xf32>,
      %get3A_156 = vector.shape_cast %get3A_155 : vector<1x16xf32> to vector<16xf32>
      %mul3A_157 = arith.mulf %get3A_156, %get3A_59 : vector<16xf32>
      %get3A_158 = arith.index_cast %add3A_132 : i32 to index
      %get3A_159 = arith.constant 80 : index
      %get3A_160 = tpu.vector_load %arg8[%get3A_158, %get3A_159] {strides = array<i32>} : memref<512x128xf32, #tpu.memory_space<vmem>>, vector<1x16xf32>,
      %get3A_161 = vector.shape_cast %get3A_160 : vector<1x16xf32> to vector<16xf32>
      %mul3A_162 = arith.mulf %get3A_161, %get3A_62 : vector<16xf32>
      %get3A_163 = arith.index_cast %add3A_132 : i32 to index
      %get3A_164 = arith.constant 96 : index
      %get3A_165 = tpu.vector_load %arg8[%get3A_163, %get3A_164] {strides = array<i32>} : memref<512x128xf32, #tpu.memory_space<vmem>>, vector<1x16xf32>,
      %get3A_166 = vector.shape_cast %get3A_165 : vector<1x16xf32> to vector<16xf32>
      %mul3A_167 = arith.mulf %get3A_166, %get3A_65 : vector<16xf32>
      %get3A_168 = arith.index_cast %add3A_132 : i32 to index
      %get3A_169 = arith.constant 112 : index
      %get3A_170 = tpu.vector_load %arg8[%get3A_168, %get3A_169] {strides = array<i32>} : memref<512x128xf32, #tpu.memory_space<vmem>>, vector<1x16xf32>,
      %get3A_171 = vector.shape_cast %get3A_170 : vector<1x16xf32> to vector<16xf32>
      %mul3A_172 = arith.mulf %get3A_171, %get3A_68 : vector<16xf32>
      %add3A_173 = arith.addf %mul3A_137, %mul3A_142 : vector<16xf32>
      %add3A_174 = arith.addf %mul3A_147, %mul3A_152 : vector<16xf32>
      %add3A_175 = arith.addf %add3A_173, %add3A_174 : vector<16xf32>
      %add3A_176 = arith.addf %mul3A_157, %mul3A_162 : vector<16xf32>
      %add3A_177 = arith.addf %mul3A_167, %mul3A_172 : vector<16xf32>
      %add3A_178 = arith.addf %add3A_176, %add3A_177 : vector<16xf32>
      %add3A_179 = arith.addf %add3A_175, %add3A_178 : vector<16xf32>
      %mul3A_180 = arith.constant 16 : i32
      %mul3A_181 = arith.muli %scan3A_114, %mul3A_180 : i32
      %add3A_182 = arith.constant 1 : i32
      %add3A_183 = arith.addi %mul3A_181, %add3A_182 : i32
      %get3A_184 = arith.index_cast %add3A_183 : i32 to index
      %get3A_185 = arith.constant 0 : index
      %get3A_186 = tpu.vector_load %arg8[%get3A_184, %get3A_185] {strides = array<i32>} : memref<512x128xf32, #tpu.memory_space<vmem>>, vector<1x16xf32>,
      %get3A_187 = vector.shape_cast %get3A_186 : vector<1x16xf32> to vector<16xf32>
      %mul3A_188 = arith.mulf %get3A_187, %get3A_47 : vector<16xf32>
      %get3A_189 = arith.index_cast %add3A_183 : i32 to index
      %get3A_190 = arith.constant 16 : index
      %get3A_191 = tpu.vector_load %arg8[%get3A_189, %get3A_190] {strides = array<i32>} : memref<512x128xf32, #tpu.memory_space<vmem>>, vector<1x16xf32>,
      %get3A_192 = vector.shape_cast %get3A_191 : vector<1x16xf32> to vector<16xf32>
      %mul3A_193 = arith.mulf %get3A_192, %get3A_50 : vector<16xf32>
      %get3A_194 = arith.index_cast %add3A_183 : i32 to index
      %get3A_195 = arith.constant 32 : index
      %get3A_196 = tpu.vector_load %arg8[%get3A_194, %get3A_195] {strides = array<i32>} : memref<512x128xf32, #tpu.memory_space<vmem>>, vector<1x16xf32>,
      %get3A_197 = vector.shape_cast %get3A_196 : vector<1x16xf32> to vector<16xf32>
      %mul3A_198 = arith.mulf %get3A_197, %get3A_53 : vector<16xf32>
      %get3A_199 = arith.index_cast %add3A_183 : i32 to index
      %get3A_200 = arith.constant 48 : index
      %get3A_201 = tpu.vector_load %arg8[%get3A_199, %get3A_200] {strides = array<i32>} : memref<512x128xf32, #tpu.memory_space<vmem>>, vector<1x16xf32>,
      %get3A_202 = vector.shape_cast %get3A_201 : vector<1x16xf32> to vector<16xf32>
      %mul3A_203 = arith.mulf %get3A_202, %get3A_56 : vector<16xf32>
      %get3A_204 = arith.index_cast %add3A_183 : i32 to index
      %get3A_205 = arith.constant 64 : index
      %get3A_206 = tpu.vector_load %arg8[%get3A_204, %get3A_205] {strides = array<i32>} : memref<512x128xf32, #tpu.memory_space<vmem>>, vector<1x16xf32>,
      %get3A_207 = vector.shape_cast %get3A_206 : vector<1x16xf32> to vector<16xf32>
      %mul3A_208 = arith.mulf %get3A_207, %get3A_59 : vector<16xf32>
      %get3A_209 = arith.index_cast %add3A_183 : i32 to index
      %get3A_210 = arith.constant 80 : index
      %get3A_211 = tpu.vector_load %arg8[%get3A_209, %get3A_210] {strides = array<i32>} : memref<512x128xf32, #tpu.memory_space<vmem>>, vector<1x16xf32>,
      %get3A_212 = vector.shape_cast %get3A_211 : vector<1x16xf32> to vector<16xf32>
      %mul3A_213 = arith.mulf %get3A_212, %get3A_62 : vector<16xf32>
      %get3A_214 = arith.index_cast %add3A_183 : i32 to index
      %get3A_215 = arith.constant 96 : index
      %get3A_216 = tpu.vector_load %arg8[%get3A_214, %get3A_215] {strides = array<i32>} : memref<512x128xf32, #tpu.memory_space<vmem>>, vector<1x16xf32>,
      %get3A_217 = vector.shape_cast %get3A_216 : vector<1x16xf32> to vector<16xf32>
      %mul3A_218 = arith.mulf %get3A_217, %get3A_65 : vector<16xf32>
      %get3A_219 = arith.index_cast %add3A_183 : i32 to index
      %get3A_220 = arith.constant 112 : index
      %get3A_221 = tpu.vector_load %arg8[%get3A_219, %get3A_220] {strides = array<i32>} : memref<512x128xf32, #tpu.memory_space<vmem>>, vector<1x16xf32>,
      %get3A_222 = vector.shape_cast %get3A_221 : vector<1x16xf32> to vector<16xf32>
      %mul3A_223 = arith.mulf %get3A_222, %get3A_68 : vector<16xf32>
      %add3A_224 = arith.addf %mul3A_188, %mul3A_193 : vector<16xf32>
      %add3A_225 = arith.addf %mul3A_198, %mul3A_203 : vector<16xf32>
      %add3A_226 = arith.addf %add3A_224, %add3A_225 : vector<16xf32>
      %add3A_227 = arith.addf %mul3A_208, %mul3A_213 : vector<16xf32>
      %add3A_228 = arith.addf %mul3A_218, %mul3A_223 : vector<16xf32>
      %add3A_229 = arith.addf %add3A_227, %add3A_228 : vector<16xf32>
      %add3A_230 = arith.addf %add3A_226, %add3A_229 : vector<16xf32>
      %mul3A_231 = arith.constant 16 : i32
      %mul3A_232 = arith.muli %scan3A_114, %mul3A_231 : i32
      %add3A_233 = arith.constant 2 : i32
      %add3A_234 = arith.addi %mul3A_232, %add3A_233 : i32
      %get3A_235 = arith.index_cast %add3A_234 : i32 to index
      %get3A_236 = arith.constant 0 : index
      %get3A_237 = tpu.vector_load %arg8[%get3A_235, %get3A_236] {strides = array<i32>} : memref<512x128xf32, #tpu.memory_space<vmem>>, vector<1x16xf32>,
      %get3A_238 = vector.shape_cast %get3A_237 : vector<1x16xf32> to vector<16xf32>
      %mul3A_239 = arith.mulf %get3A_238, %get3A_47 : vector<16xf32>
      %get3A_240 = arith.index_cast %add3A_234 : i32 to index
      %get3A_241 = arith.constant 16 : index
      %get3A_242 = tpu.vector_load %arg8[%get3A_240, %get3A_241] {strides = array<i32>} : memref<512x128xf32, #tpu.memory_space<vmem>>, vector<1x16xf32>,
      %get3A_243 = vector.shape_cast %get3A_242 : vector<1x16xf32> to vector<16xf32>
      %mul3A_244 = arith.mulf %get3A_243, %get3A_50 : vector<16xf32>
      %get3A_245 = arith.index_cast %add3A_234 : i32 to index
      %get3A_246 = arith.constant 32 : index
      %get3A_247 = tpu.vector_load %arg8[%get3A_245, %get3A_246] {strides = array<i32>} : memref<512x128xf32, #tpu.memory_space<vmem>>, vector<1x16xf32>,
      %get3A_248 = vector.shape_cast %get3A_247 : vector<1x16xf32> to vector<16xf32>
      %mul3A_249 = arith.mulf %get3A_248, %get3A_53 : vector<16xf32>
      %get3A_250 = arith.index_cast %add3A_234 : i32 to index
      %get3A_251 = arith.constant 48 : index
      %get3A_252 = tpu.vector_load %arg8[%get3A_250, %get3A_251] {strides = array<i32>} : memref<512x128xf32, #tpu.memory_space<vmem>>, vector<1x16xf32>,
      %get3A_253 = vector.shape_cast %get3A_252 : vector<1x16xf32> to vector<16xf32>
      %mul3A_254 = arith.mulf %get3A_253, %get3A_56 : vector<16xf32>
      %get3A_255 = arith.index_cast %add3A_234 : i32 to index
      %get3A_256 = arith.constant 64 : index
      %get3A_257 = tpu.vector_load %arg8[%get3A_255, %get3A_256] {strides = array<i32>} : memref<512x128xf32, #tpu.memory_space<vmem>>, vector<1x16xf32>,
      %get3A_258 = vector.shape_cast %get3A_257 : vector<1x16xf32> to vector<16xf32>
      %mul3A_259 = arith.mulf %get3A_258, %get3A_59 : vector<16xf32>
      %get3A_260 = arith.index_cast %add3A_234 : i32 to index
      %get3A_261 = arith.constant 80 : index
      %get3A_262 = tpu.vector_load %arg8[%get3A_260, %get3A_261] {strides = array<i32>} : memref<512x128xf32, #tpu.memory_space<vmem>>, vector<1x16xf32>,
      %get3A_263 = vector.shape_cast %get3A_262 : vector<1x16xf32> to vector<16xf32>
      %mul3A_264 = arith.mulf %get3A_263, %get3A_62 : vector<16xf32>
      %get3A_265 = arith.index_cast %add3A_234 : i32 to index
      %get3A_266 = arith.constant 96 : index
      %get3A_267 = tpu.vector_load %arg8[%get3A_265, %get3A_266] {strides = array<i32>} : memref<512x128xf32, #tpu.memory_space<vmem>>, vector<1x16xf32>,
      %get3A_268 = vector.shape_cast %get3A_267 : vector<1x16xf32> to vector<16xf32>
      %mul3A_269 = arith.mulf %get3A_268, %get3A_65 : vector<16xf32>
      %get3A_270 = arith.index_cast %add3A_234 : i32 to index
      %get3A_271 = arith.constant 112 : index
      %get3A_272 = tpu.vector_load %arg8[%get3A_270, %get3A_271] {strides = array<i32>} : memref<512x128xf32, #tpu.memory_space<vmem>>, vector<1x16xf32>,
      %get3A_273 = vector.shape_cast %get3A_272 : vector<1x16xf32> to vector<16xf32>
      %mul3A_274 = arith.mulf %get3A_273, %get3A_68 : vector<16xf32>
      %add3A_275 = arith.addf %mul3A_239, %mul3A_244 : vector<16xf32>
      %add3A_276 = arith.addf %mul3A_249, %mul3A_254 : vector<16xf32>
      %add3A_277 = arith.addf %add3A_275, %add3A_276 : vector<16xf32>
      %add3A_278 = arith.addf %mul3A_259, %mul3A_264 : vector<16xf32>
      %add3A_279 = arith.addf %mul3A_269, %mul3A_274 : vector<16xf32>
      %add3A_280 = arith.addf %add3A_278, %add3A_279 : vector<16xf32>
      %add3A_281 = arith.addf %add3A_277, %add3A_280 : vector<16xf32>
      %mul3A_282 = arith.constant 16 : i32
      %mul3A_283 = arith.muli %scan3A_114, %mul3A_282 : i32
      %add3A_284 = arith.constant 3 : i32
      %add3A_285 = arith.addi %mul3A_283, %add3A_284 : i32
      %get3A_286 = arith.index_cast %add3A_285 : i32 to index
      %get3A_287 = arith.constant 0 : index
      %get3A_288 = tpu.vector_load %arg8[%get3A_286, %get3A_287] {strides = array<i32>} : memref<512x128xf32, #tpu.memory_space<vmem>>, vector<1x16xf32>,
      %get3A_289 = vector.shape_cast %get3A_288 : vector<1x16xf32> to vector<16xf32>
      %mul3A_290 = arith.mulf %get3A_289, %get3A_47 : vector<16xf32>
      %get3A_291 = arith.index_cast %add3A_285 : i32 to index
      %get3A_292 = arith.constant 16 : index
      %get3A_293 = tpu.vector_load %arg8[%get3A_291, %get3A_292] {strides = array<i32>} : memref<512x128xf32, #tpu.memory_space<vmem>>, vector<1x16xf32>,
      %get3A_294 = vector.shape_cast %get3A_293 : vector<1x16xf32> to vector<16xf32>
      %mul3A_295 = arith.mulf %get3A_294, %get3A_50 : vector<16xf32>
      %get3A_296 = arith.index_cast %add3A_285 : i32 to index
      %get3A_297 = arith.constant 32 : index
      %get3A_298 = tpu.vector_load %arg8[%get3A_296, %get3A_297] {strides = array<i32>} : memref<512x128xf32, #tpu.memory_space<vmem>>, vector<1x16xf32>,
      %get3A_299 = vector.shape_cast %get3A_298 : vector<1x16xf32> to vector<16xf32>
      %mul3A_300 = arith.mulf %get3A_299, %get3A_53 : vector<16xf32>
      %get3A_301 = arith.index_cast %add3A_285 : i32 to index
      %get3A_302 = arith.constant 48 : index
      %get3A_303 = tpu.vector_load %arg8[%get3A_301, %get3A_302] {strides = array<i32>} : memref<512x128xf32, #tpu.memory_space<vmem>>, vector<1x16xf32>,
      %get3A_304 = vector.shape_cast %get3A_303 : vector<1x16xf32> to vector<16xf32>
      %mul3A_305 = arith.mulf %get3A_304, %get3A_56 : vector<16xf32>
      %get3A_306 = arith.index_cast %add3A_285 : i32 to index
      %get3A_307 = arith.constant 64 : index
      %get3A_308 = tpu.vector_load %arg8[%get3A_306, %get3A_307] {strides = array<i32>} : memref<512x128xf32, #tpu.memory_space<vmem>>, vector<1x16xf32>,
      %get3A_309 = vector.shape_cast %get3A_308 : vector<1x16xf32> to vector<16xf32>
      %mul3A_310 = arith.mulf %get3A_309, %get3A_59 : vector<16xf32>
      %get3A_311 = arith.index_cast %add3A_285 : i32 to index
      %get3A_312 = arith.constant 80 : index
      %get3A_313 = tpu.vector_load %arg8[%get3A_311, %get3A_312] {strides = array<i32>} : memref<512x128xf32, #tpu.memory_space<vmem>>, vector<1x16xf32>,
      %get3A_314 = vector.shape_cast %get3A_313 : vector<1x16xf32> to vector<16xf32>
      %mul3A_315 = arith.mulf %get3A_314, %get3A_62 : vector<16xf32>
      %get3A_316 = arith.index_cast %add3A_285 : i32 to index
      %get3A_317 = arith.constant 96 : index
      %get3A_318 = tpu.vector_load %arg8[%get3A_316, %get3A_317] {strides = array<i32>} : memref<512x128xf32, #tpu.memory_space<vmem>>, vector<1x16xf32>,
      %get3A_319 = vector.shape_cast %get3A_318 : vector<1x16xf32> to vector<16xf32>
      %mul3A_320 = arith.mulf %get3A_319, %get3A_65 : vector<16xf32>
      %get3A_321 = arith.index_cast %add3A_285 : i32 to index
      %get3A_322 = arith.constant 112 : index
      %get3A_323 = tpu.vector_load %arg8[%get3A_321, %get3A_322] {strides = array<i32>} : memref<512x128xf32, #tpu.memory_space<vmem>>, vector<1x16xf32>,
      %get3A_324 = vector.shape_cast %get3A_323 : vector<1x16xf32> to vector<16xf32>
      %mul3A_325 = arith.mulf %get3A_324, %get3A_68 : vector<16xf32>
      %add3A_326 = arith.addf %mul3A_290, %mul3A_295 : vector<16xf32>
      %add3A_327 = arith.addf %mul3A_300, %mul3A_305 : vector<16xf32>
      %add3A_328 = arith.addf %add3A_326, %add3A_327 : vector<16xf32>
      %add3A_329 = arith.addf %mul3A_310, %mul3A_315 : vector<16xf32>
      %add3A_330 = arith.addf %mul3A_320, %mul3A_325 : vector<16xf32>
      %add3A_331 = arith.addf %add3A_329, %add3A_330 : vector<16xf32>
      %add3A_332 = arith.addf %add3A_328, %add3A_331 : vector<16xf32>
      %mul3A_333 = arith.constant 16 : i32
      %mul3A_334 = arith.muli %scan3A_114, %mul3A_333 : i32
      %add3A_335 = arith.constant 4 : i32
      %add3A_336 = arith.addi %mul3A_334, %add3A_335 : i32
      %get3A_337 = arith.index_cast %add3A_336 : i32 to index
      %get3A_338 = arith.constant 0 : index
      %get3A_339 = tpu.vector_load %arg8[%get3A_337, %get3A_338] {strides = array<i32>} : memref<512x128xf32, #tpu.memory_space<vmem>>, vector<1x16xf32>,
      %get3A_340 = vector.shape_cast %get3A_339 : vector<1x16xf32> to vector<16xf32>
      %mul3A_341 = arith.mulf %get3A_340, %get3A_47 : vector<16xf32>
      %get3A_342 = arith.index_cast %add3A_336 : i32 to index
      %get3A_343 = arith.constant 16 : index
      %get3A_344 = tpu.vector_load %arg8[%get3A_342, %get3A_343] {strides = array<i32>} : memref<512x128xf32, #tpu.memory_space<vmem>>, vector<1x16xf32>,
      %get3A_345 = vector.shape_cast %get3A_344 : vector<1x16xf32> to vector<16xf32>
      %mul3A_346 = arith.mulf %get3A_345, %get3A_50 : vector<16xf32>
      %get3A_347 = arith.index_cast %add3A_336 : i32 to index
      %get3A_348 = arith.constant 32 : index
      %get3A_349 = tpu.vector_load %arg8[%get3A_347, %get3A_348] {strides = array<i32>} : memref<512x128xf32, #tpu.memory_space<vmem>>, vector<1x16xf32>,
      %get3A_350 = vector.shape_cast %get3A_349 : vector<1x16xf32> to vector<16xf32>
      %mul3A_351 = arith.mulf %get3A_350, %get3A_53 : vector<16xf32>
      %get3A_352 = arith.index_cast %add3A_336 : i32 to index
      %get3A_353 = arith.constant 48 : index
      %get3A_354 = tpu.vector_load %arg8[%get3A_352, %get3A_353] {strides = array<i32>} : memref<512x128xf32, #tpu.memory_space<vmem>>, vector<1x16xf32>,
      %get3A_355 = vector.shape_cast %get3A_354 : vector<1x16xf32> to vector<16xf32>
      %mul3A_356 = arith.mulf %get3A_355, %get3A_56 : vector<16xf32>
      %get3A_357 = arith.index_cast %add3A_336 : i32 to index
      %get3A_358 = arith.constant 64 : index
      %get3A_359 = tpu.vector_load %arg8[%get3A_357, %get3A_358] {strides = array<i32>} : memref<512x128xf32, #tpu.memory_space<vmem>>, vector<1x16xf32>,
      %get3A_360 = vector.shape_cast %get3A_359 : vector<1x16xf32> to vector<16xf32>
      %mul3A_361 = arith.mulf %get3A_360, %get3A_59 : vector<16xf32>
      %get3A_362 = arith.index_cast %add3A_336 : i32 to index
      %get3A_363 = arith.constant 80 : index
      %get3A_364 = tpu.vector_load %arg8[%get3A_362, %get3A_363] {strides = array<i32>} : memref<512x128xf32, #tpu.memory_space<vmem>>, vector<1x16xf32>,
      %get3A_365 = vector.shape_cast %get3A_364 : vector<1x16xf32> to vector<16xf32>
      %mul3A_366 = arith.mulf %get3A_365, %get3A_62 : vector<16xf32>
      %get3A_367 = arith.index_cast %add3A_336 : i32 to index
      %get3A_368 = arith.constant 96 : index
      %get3A_369 = tpu.vector_load %arg8[%get3A_367, %get3A_368] {strides = array<i32>} : memref<512x128xf32, #tpu.memory_space<vmem>>, vector<1x16xf32>,
      %get3A_370 = vector.shape_cast %get3A_369 : vector<1x16xf32> to vector<16xf32>
      %mul3A_371 = arith.mulf %get3A_370, %get3A_65 : vector<16xf32>
      %get3A_372 = arith.index_cast %add3A_336 : i32 to index
      %get3A_373 = arith.constant 112 : index
      %get3A_374 = tpu.vector_load %arg8[%get3A_372, %get3A_373] {strides = array<i32>} : memref<512x128xf32, #tpu.memory_space<vmem>>, vector<1x16xf32>,
      %get3A_375 = vector.shape_cast %get3A_374 : vector<1x16xf32> to vector<16xf32>
      %mul3A_376 = arith.mulf %get3A_375, %get3A_68 : vector<16xf32>
      %add3A_377 = arith.addf %mul3A_341, %mul3A_346 : vector<16xf32>
      %add3A_378 = arith.addf %mul3A_351, %mul3A_356 : vector<16xf32>
      %add3A_379 = arith.addf %add3A_377, %add3A_378 : vector<16xf32>
      %add3A_380 = arith.addf %mul3A_361, %mul3A_366 : vector<16xf32>
      %add3A_381 = arith.addf %mul3A_371, %mul3A_376 : vector<16xf32>
      %add3A_382 = arith.addf %add3A_380, %add3A_381 : vector<16xf32>
      %add3A_383 = arith.addf %add3A_379, %add3A_382 : vector<16xf32>
      %mul3A_384 = arith.constant 16 : i32
      %mul3A_385 = arith.muli %scan3A_114, %mul3A_384 : i32
      %add3A_386 = arith.constant 5 : i32
      %add3A_387 = arith.addi %mul3A_385, %add3A_386 : i32
      %get3A_388 = arith.index_cast %add3A_387 : i32 to index
      %get3A_389 = arith.constant 0 : index
      %get3A_390 = tpu.vector_load %arg8[%get3A_388, %get3A_389] {strides = array<i32>} : memref<512x128xf32, #tpu.memory_space<vmem>>, vector<1x16xf32>,
      %get3A_391 = vector.shape_cast %get3A_390 : vector<1x16xf32> to vector<16xf32>
      %mul3A_392 = arith.mulf %get3A_391, %get3A_47 : vector<16xf32>
      %get3A_393 = arith.index_cast %add3A_387 : i32 to index
      %get3A_394 = arith.constant 16 : index
      %get3A_395 = tpu.vector_load %arg8[%get3A_393, %get3A_394] {strides = array<i32>} : memref<512x128xf32, #tpu.memory_space<vmem>>, vector<1x16xf32>,
      %get3A_396 = vector.shape_cast %get3A_395 : vector<1x16xf32> to vector<16xf32>
      %mul3A_397 = arith.mulf %get3A_396, %get3A_50 : vector<16xf32>
      %get3A_398 = arith.index_cast %add3A_387 : i32 to index
      %get3A_399 = arith.constant 32 : index
      %get3A_400 = tpu.vector_load %arg8[%get3A_398, %get3A_399] {strides = array<i32>} : memref<512x128xf32, #tpu.memory_space<vmem>>, vector<1x16xf32>,
      %get3A_401 = vector.shape_cast %get3A_400 : vector<1x16xf32> to vector<16xf32>
      %mul3A_402 = arith.mulf %get3A_401, %get3A_53 : vector<16xf32>
      %get3A_403 = arith.index_cast %add3A_387 : i32 to index
      %get3A_404 = arith.constant 48 : index
      %get3A_405 = tpu.vector_load %arg8[%get3A_403, %get3A_404] {strides = array<i32>} : memref<512x128xf32, #tpu.memory_space<vmem>>, vector<1x16xf32>,
      %get3A_406 = vector.shape_cast %get3A_405 : vector<1x16xf32> to vector<16xf32>
      %mul3A_407 = arith.mulf %get3A_406, %get3A_56 : vector<16xf32>
      %get3A_408 = arith.index_cast %add3A_387 : i32 to index
      %get3A_409 = arith.constant 64 : index
      %get3A_410 = tpu.vector_load %arg8[%get3A_408, %get3A_409] {strides = array<i32>} : memref<512x128xf32, #tpu.memory_space<vmem>>, vector<1x16xf32>,
      %get3A_411 = vector.shape_cast %get3A_410 : vector<1x16xf32> to vector<16xf32>
      %mul3A_412 = arith.mulf %get3A_411, %get3A_59 : vector<16xf32>
      %get3A_413 = arith.index_cast %add3A_387 : i32 to index
      %get3A_414 = arith.constant 80 : index
      %get3A_415 = tpu.vector_load %arg8[%get3A_413, %get3A_414] {strides = array<i32>} : memref<512x128xf32, #tpu.memory_space<vmem>>, vector<1x16xf32>,
      %get3A_416 = vector.shape_cast %get3A_415 : vector<1x16xf32> to vector<16xf32>
      %mul3A_417 = arith.mulf %get3A_416, %get3A_62 : vector<16xf32>
      %get3A_418 = arith.index_cast %add3A_387 : i32 to index
      %get3A_419 = arith.constant 96 : index
      %get3A_420 = tpu.vector_load %arg8[%get3A_418, %get3A_419] {strides = array<i32>} : memref<512x128xf32, #tpu.memory_space<vmem>>, vector<1x16xf32>,
      %get3A_421 = vector.shape_cast %get3A_420 : vector<1x16xf32> to vector<16xf32>
      %mul3A_422 = arith.mulf %get3A_421, %get3A_65 : vector<16xf32>
      %get3A_423 = arith.index_cast %add3A_387 : i32 to index
      %get3A_424 = arith.constant 112 : index
      %get3A_425 = tpu.vector_load %arg8[%get3A_423, %get3A_424] {strides = array<i32>} : memref<512x128xf32, #tpu.memory_space<vmem>>, vector<1x16xf32>,
      %get3A_426 = vector.shape_cast %get3A_425 : vector<1x16xf32> to vector<16xf32>
      %mul3A_427 = arith.mulf %get3A_426, %get3A_68 : vector<16xf32>
      %add3A_428 = arith.addf %mul3A_392, %mul3A_397 : vector<16xf32>
      %add3A_429 = arith.addf %mul3A_402, %mul3A_407 : vector<16xf32>
      %add3A_430 = arith.addf %add3A_428, %add3A_429 : vector<16xf32>
      %add3A_431 = arith.addf %mul3A_412, %mul3A_417 : vector<16xf32>
      %add3A_432 = arith.addf %mul3A_422, %mul3A_427 : vector<16xf32>
      %add3A_433 = arith.addf %add3A_431, %add3A_432 : vector<16xf32>
      %add3A_434 = arith.addf %add3A_430, %add3A_433 : vector<16xf32>
      %mul3A_435 = arith.constant 16 : i32
      %mul3A_436 = arith.muli %scan3A_114, %mul3A_435 : i32
      %add3A_437 = arith.constant 6 : i32
      %add3A_438 = arith.addi %mul3A_436, %add3A_437 : i32
      %get3A_439 = arith.index_cast %add3A_438 : i32 to index
      %get3A_440 = arith.constant 0 : index
      %get3A_441 = tpu.vector_load %arg8[%get3A_439, %get3A_440] {strides = array<i32>} : memref<512x128xf32, #tpu.memory_space<vmem>>, vector<1x16xf32>,
      %get3A_442 = vector.shape_cast %get3A_441 : vector<1x16xf32> to vector<16xf32>
      %mul3A_443 = arith.mulf %get3A_442, %get3A_47 : vector<16xf32>
      %get3A_444 = arith.index_cast %add3A_438 : i32 to index
      %get3A_445 = arith.constant 16 : index
      %get3A_446 = tpu.vector_load %arg8[%get3A_444, %get3A_445] {strides = array<i32>} : memref<512x128xf32, #tpu.memory_space<vmem>>, vector<1x16xf32>,
      %get3A_447 = vector.shape_cast %get3A_446 : vector<1x16xf32> to vector<16xf32>
      %mul3A_448 = arith.mulf %get3A_447, %get3A_50 : vector<16xf32>
      %get3A_449 = arith.index_cast %add3A_438 : i32 to index
      %get3A_450 = arith.constant 32 : index
      %get3A_451 = tpu.vector_load %arg8[%get3A_449, %get3A_450] {strides = array<i32>} : memref<512x128xf32, #tpu.memory_space<vmem>>, vector<1x16xf32>,
      %get3A_452 = vector.shape_cast %get3A_451 : vector<1x16xf32> to vector<16xf32>
      %mul3A_453 = arith.mulf %get3A_452, %get3A_53 : vector<16xf32>
      %get3A_454 = arith.index_cast %add3A_438 : i32 to index
      %get3A_455 = arith.constant 48 : index
      %get3A_456 = tpu.vector_load %arg8[%get3A_454, %get3A_455] {strides = array<i32>} : memref<512x128xf32, #tpu.memory_space<vmem>>, vector<1x16xf32>,
      %get3A_457 = vector.shape_cast %get3A_456 : vector<1x16xf32> to vector<16xf32>
      %mul3A_458 = arith.mulf %get3A_457, %get3A_56 : vector<16xf32>
      %get3A_459 = arith.index_cast %add3A_438 : i32 to index
      %get3A_460 = arith.constant 64 : index
      %get3A_461 = tpu.vector_load %arg8[%get3A_459, %get3A_460] {strides = array<i32>} : memref<512x128xf32, #tpu.memory_space<vmem>>, vector<1x16xf32>,
      %get3A_462 = vector.shape_cast %get3A_461 : vector<1x16xf32> to vector<16xf32>
      %mul3A_463 = arith.mulf %get3A_462, %get3A_59 : vector<16xf32>
      %get3A_464 = arith.index_cast %add3A_438 : i32 to index
      %get3A_465 = arith.constant 80 : index
      %get3A_466 = tpu.vector_load %arg8[%get3A_464, %get3A_465] {strides = array<i32>} : memref<512x128xf32, #tpu.memory_space<vmem>>, vector<1x16xf32>,
      %get3A_467 = vector.shape_cast %get3A_466 : vector<1x16xf32> to vector<16xf32>
      %mul3A_468 = arith.mulf %get3A_467, %get3A_62 : vector<16xf32>
      %get3A_469 = arith.index_cast %add3A_438 : i32 to index
      %get3A_470 = arith.constant 96 : index
      %get3A_471 = tpu.vector_load %arg8[%get3A_469, %get3A_470] {strides = array<i32>} : memref<512x128xf32, #tpu.memory_space<vmem>>, vector<1x16xf32>,
      %get3A_472 = vector.shape_cast %get3A_471 : vector<1x16xf32> to vector<16xf32>
      %mul3A_473 = arith.mulf %get3A_472, %get3A_65 : vector<16xf32>
      %get3A_474 = arith.index_cast %add3A_438 : i32 to index
      %get3A_475 = arith.constant 112 : index
      %get3A_476 = tpu.vector_load %arg8[%get3A_474, %get3A_475] {strides = array<i32>} : memref<512x128xf32, #tpu.memory_space<vmem>>, vector<1x16xf32>,
      %get3A_477 = vector.shape_cast %get3A_476 : vector<1x16xf32> to vector<16xf32>
      %mul3A_478 = arith.mulf %get3A_477, %get3A_68 : vector<16xf32>
      %add3A_479 = arith.addf %mul3A_443, %mul3A_448 : vector<16xf32>
      %add3A_480 = arith.addf %mul3A_453, %mul3A_458 : vector<16xf32>
      %add3A_481 = arith.addf %add3A_479, %add3A_480 : vector<16xf32>
      %add3A_482 = arith.addf %mul3A_463, %mul3A_468 : vector<16xf32>
      %add3A_483 = arith.addf %mul3A_473, %mul3A_478 : vector<16xf32>
      %add3A_484 = arith.addf %add3A_482, %add3A_483 : vector<16xf32>
      %add3A_485 = arith.addf %add3A_481, %add3A_484 : vector<16xf32>
      %mul3A_486 = arith.constant 16 : i32
      %mul3A_487 = arith.muli %scan3A_114, %mul3A_486 : i32
      %add3A_488 = arith.constant 7 : i32
      %add3A_489 = arith.addi %mul3A_487, %add3A_488 : i32
      %get3A_490 = arith.index_cast %add3A_489 : i32 to index
      %get3A_491 = arith.constant 0 : index
      %get3A_492 = tpu.vector_load %arg8[%get3A_490, %get3A_491] {strides = array<i32>} : memref<512x128xf32, #tpu.memory_space<vmem>>, vector<1x16xf32>,
      %get3A_493 = vector.shape_cast %get3A_492 : vector<1x16xf32> to vector<16xf32>
      %mul3A_494 = arith.mulf %get3A_493, %get3A_47 : vector<16xf32>
      %get3A_495 = arith.index_cast %add3A_489 : i32 to index
      %get3A_496 = arith.constant 16 : index
      %get3A_497 = tpu.vector_load %arg8[%get3A_495, %get3A_496] {strides = array<i32>} : memref<512x128xf32, #tpu.memory_space<vmem>>, vector<1x16xf32>,
      %get3A_498 = vector.shape_cast %get3A_497 : vector<1x16xf32> to vector<16xf32>
      %mul3A_499 = arith.mulf %get3A_498, %get3A_50 : vector<16xf32>
      %get3A_500 = arith.index_cast %add3A_489 : i32 to index
      %get3A_501 = arith.constant 32 : index
      %get3A_502 = tpu.vector_load %arg8[%get3A_500, %get3A_501] {strides = array<i32>} : memref<512x128xf32, #tpu.memory_space<vmem>>, vector<1x16xf32>,
      %get3A_503 = vector.shape_cast %get3A_502 : vector<1x16xf32> to vector<16xf32>
      %mul3A_504 = arith.mulf %get3A_503, %get3A_53 : vector<16xf32>
      %get3A_505 = arith.index_cast %add3A_489 : i32 to index
      %get3A_506 = arith.constant 48 : index
      %get3A_507 = tpu.vector_load %arg8[%get3A_505, %get3A_506] {strides = array<i32>} : memref<512x128xf32, #tpu.memory_space<vmem>>, vector<1x16xf32>,
      %get3A_508 = vector.shape_cast %get3A_507 : vector<1x16xf32> to vector<16xf32>
      %mul3A_509 = arith.mulf %get3A_508, %get3A_56 : vector<16xf32>
      %get3A_510 = arith.index_cast %add3A_489 : i32 to index
      %get3A_511 = arith.constant 64 : index
      %get3A_512 = tpu.vector_load %arg8[%get3A_510, %get3A_511] {strides = array<i32>} : memref<512x128xf32, #tpu.memory_space<vmem>>, vector<1x16xf32>,
      %get3A_513 = vector.shape_cast %get3A_512 : vector<1x16xf32> to vector<16xf32>
      %mul3A_514 = arith.mulf %get3A_513, %get3A_59 : vector<16xf32>
      %get3A_515 = arith.index_cast %add3A_489 : i32 to index
      %get3A_516 = arith.constant 80 : index
      %get3A_517 = tpu.vector_load %arg8[%get3A_515, %get3A_516] {strides = array<i32>} : memref<512x128xf32, #tpu.memory_space<vmem>>, vector<1x16xf32>,
      %get3A_518 = vector.shape_cast %get3A_517 : vector<1x16xf32> to vector<16xf32>
      %mul3A_519 = arith.mulf %get3A_518, %get3A_62 : vector<16xf32>
      %get3A_520 = arith.index_cast %add3A_489 : i32 to index
      %get3A_521 = arith.constant 96 : index
      %get3A_522 = tpu.vector_load %arg8[%get3A_520, %get3A_521] {strides = array<i32>} : memref<512x128xf32, #tpu.memory_space<vmem>>, vector<1x16xf32>,
      %get3A_523 = vector.shape_cast %get3A_522 : vector<1x16xf32> to vector<16xf32>
      %mul3A_524 = arith.mulf %get3A_523, %get3A_65 : vector<16xf32>
      %get3A_525 = arith.index_cast %add3A_489 : i32 to index
      %get3A_526 = arith.constant 112 : index
      %get3A_527 = tpu.vector_load %arg8[%get3A_525, %get3A_526] {strides = array<i32>} : memref<512x128xf32, #tpu.memory_space<vmem>>, vector<1x16xf32>,
      %get3A_528 = vector.shape_cast %get3A_527 : vector<1x16xf32> to vector<16xf32>
      %mul3A_529 = arith.mulf %get3A_528, %get3A_68 : vector<16xf32>
      %add3A_530 = arith.addf %mul3A_494, %mul3A_499 : vector<16xf32>
      %add3A_531 = arith.addf %mul3A_504, %mul3A_509 : vector<16xf32>
      %add3A_532 = arith.addf %add3A_530, %add3A_531 : vector<16xf32>
      %add3A_533 = arith.addf %mul3A_514, %mul3A_519 : vector<16xf32>
      %add3A_534 = arith.addf %mul3A_524, %mul3A_529 : vector<16xf32>
      %add3A_535 = arith.addf %add3A_533, %add3A_534 : vector<16xf32>
      %add3A_536 = arith.addf %add3A_532, %add3A_535 : vector<16xf32>
      %mul3A_537 = arith.constant 16 : i32
      %mul3A_538 = arith.muli %scan3A_114, %mul3A_537 : i32
      %add3A_539 = arith.constant 8 : i32
      %add3A_540 = arith.addi %mul3A_538, %add3A_539 : i32
      %get3A_541 = arith.index_cast %add3A_540 : i32 to index
      %get3A_542 = arith.constant 0 : index
      %get3A_543 = tpu.vector_load %arg8[%get3A_541, %get3A_542] {strides = array<i32>} : memref<512x128xf32, #tpu.memory_space<vmem>>, vector<1x16xf32>,
      %get3A_544 = vector.shape_cast %get3A_543 : vector<1x16xf32> to vector<16xf32>
      %mul3A_545 = arith.mulf %get3A_544, %get3A_47 : vector<16xf32>
      %get3A_546 = arith.index_cast %add3A_540 : i32 to index
      %get3A_547 = arith.constant 16 : index
      %get3A_548 = tpu.vector_load %arg8[%get3A_546, %get3A_547] {strides = array<i32>} : memref<512x128xf32, #tpu.memory_space<vmem>>, vector<1x16xf32>,
      %get3A_549 = vector.shape_cast %get3A_548 : vector<1x16xf32> to vector<16xf32>
      %mul3A_550 = arith.mulf %get3A_549, %get3A_50 : vector<16xf32>
      %get3A_551 = arith.index_cast %add3A_540 : i32 to index
      %get3A_552 = arith.constant 32 : index
      %get3A_553 = tpu.vector_load %arg8[%get3A_551, %get3A_552] {strides = array<i32>} : memref<512x128xf32, #tpu.memory_space<vmem>>, vector<1x16xf32>,
      %get3A_554 = vector.shape_cast %get3A_553 : vector<1x16xf32> to vector<16xf32>
      %mul3A_555 = arith.mulf %get3A_554, %get3A_53 : vector<16xf32>
      %get3A_556 = arith.index_cast %add3A_540 : i32 to index
      %get3A_557 = arith.constant 48 : index
      %get3A_558 = tpu.vector_load %arg8[%get3A_556, %get3A_557] {strides = array<i32>} : memref<512x128xf32, #tpu.memory_space<vmem>>, vector<1x16xf32>,
      %get3A_559 = vector.shape_cast %get3A_558 : vector<1x16xf32> to vector<16xf32>
      %mul3A_560 = arith.mulf %get3A_559, %get3A_56 : vector<16xf32>
      %get3A_561 = arith.index_cast %add3A_540 : i32 to index
      %get3A_562 = arith.constant 64 : index
      %get3A_563 = tpu.vector_load %arg8[%get3A_561, %get3A_562] {strides = array<i32>} : memref<512x128xf32, #tpu.memory_space<vmem>>, vector<1x16xf32>,
      %get3A_564 = vector.shape_cast %get3A_563 : vector<1x16xf32> to vector<16xf32>
      %mul3A_565 = arith.mulf %get3A_564, %get3A_59 : vector<16xf32>
      %get3A_566 = arith.index_cast %add3A_540 : i32 to index
      %get3A_567 = arith.constant 80 : index
      %get3A_568 = tpu.vector_load %arg8[%get3A_566, %get3A_567] {strides = array<i32>} : memref<512x128xf32, #tpu.memory_space<vmem>>, vector<1x16xf32>,
      %get3A_569 = vector.shape_cast %get3A_568 : vector<1x16xf32> to vector<16xf32>
      %mul3A_570 = arith.mulf %get3A_569, %get3A_62 : vector<16xf32>
      %get3A_571 = arith.index_cast %add3A_540 : i32 to index
      %get3A_572 = arith.constant 96 : index
      %get3A_573 = tpu.vector_load %arg8[%get3A_571, %get3A_572] {strides = array<i32>} : memref<512x128xf32, #tpu.memory_space<vmem>>, vector<1x16xf32>,
      %get3A_574 = vector.shape_cast %get3A_573 : vector<1x16xf32> to vector<16xf32>
      %mul3A_575 = arith.mulf %get3A_574, %get3A_65 : vector<16xf32>
      %get3A_576 = arith.index_cast %add3A_540 : i32 to index
      %get3A_577 = arith.constant 112 : index
      %get3A_578 = tpu.vector_load %arg8[%get3A_576, %get3A_577] {strides = array<i32>} : memref<512x128xf32, #tpu.memory_space<vmem>>, vector<1x16xf32>,
      %get3A_579 = vector.shape_cast %get3A_578 : vector<1x16xf32> to vector<16xf32>
      %mul3A_580 = arith.mulf %get3A_579, %get3A_68 : vector<16xf32>
      %add3A_581 = arith.addf %mul3A_545, %mul3A_550 : vector<16xf32>
      %add3A_582 = arith.addf %mul3A_555, %mul3A_560 : vector<16xf32>
      %add3A_583 = arith.addf %add3A_581, %add3A_582 : vector<16xf32>
      %add3A_584 = arith.addf %mul3A_565, %mul3A_570 : vector<16xf32>
      %add3A_585 = arith.addf %mul3A_575, %mul3A_580 : vector<16xf32>
      %add3A_586 = arith.addf %add3A_584, %add3A_585 : vector<16xf32>
      %add3A_587 = arith.addf %add3A_583, %add3A_586 : vector<16xf32>
      %mul3A_588 = arith.constant 16 : i32
      %mul3A_589 = arith.muli %scan3A_114, %mul3A_588 : i32
      %add3A_590 = arith.constant 9 : i32
      %add3A_591 = arith.addi %mul3A_589, %add3A_590 : i32
      %get3A_592 = arith.index_cast %add3A_591 : i32 to index
      %get3A_593 = arith.constant 0 : index
      %get3A_594 = tpu.vector_load %arg8[%get3A_592, %get3A_593] {strides = array<i32>} : memref<512x128xf32, #tpu.memory_space<vmem>>, vector<1x16xf32>,
      %get3A_595 = vector.shape_cast %get3A_594 : vector<1x16xf32> to vector<16xf32>
      %mul3A_596 = arith.mulf %get3A_595, %get3A_47 : vector<16xf32>
      %get3A_597 = arith.index_cast %add3A_591 : i32 to index
      %get3A_598 = arith.constant 16 : index
      %get3A_599 = tpu.vector_load %arg8[%get3A_597, %get3A_598] {strides = array<i32>} : memref<512x128xf32, #tpu.memory_space<vmem>>, vector<1x16xf32>,
      %get3A_600 = vector.shape_cast %get3A_599 : vector<1x16xf32> to vector<16xf32>
      %mul3A_601 = arith.mulf %get3A_600, %get3A_50 : vector<16xf32>
      %get3A_602 = arith.index_cast %add3A_591 : i32 to index
      %get3A_603 = arith.constant 32 : index
      %get3A_604 = tpu.vector_load %arg8[%get3A_602, %get3A_603] {strides = array<i32>} : memref<512x128xf32, #tpu.memory_space<vmem>>, vector<1x16xf32>,
      %get3A_605 = vector.shape_cast %get3A_604 : vector<1x16xf32> to vector<16xf32>
      %mul3A_606 = arith.mulf %get3A_605, %get3A_53 : vector<16xf32>
      %get3A_607 = arith.index_cast %add3A_591 : i32 to index
      %get3A_608 = arith.constant 48 : index
      %get3A_609 = tpu.vector_load %arg8[%get3A_607, %get3A_608] {strides = array<i32>} : memref<512x128xf32, #tpu.memory_space<vmem>>, vector<1x16xf32>,
      %get3A_610 = vector.shape_cast %get3A_609 : vector<1x16xf32> to vector<16xf32>
      %mul3A_611 = arith.mulf %get3A_610, %get3A_56 : vector<16xf32>
      %get3A_612 = arith.index_cast %add3A_591 : i32 to index
      %get3A_613 = arith.constant 64 : index
      %get3A_614 = tpu.vector_load %arg8[%get3A_612, %get3A_613] {strides = array<i32>} : memref<512x128xf32, #tpu.memory_space<vmem>>, vector<1x16xf32>,
      %get3A_615 = vector.shape_cast %get3A_614 : vector<1x16xf32> to vector<16xf32>
      %mul3A_616 = arith.mulf %get3A_615, %get3A_59 : vector<16xf32>
      %get3A_617 = arith.index_cast %add3A_591 : i32 to index
      %get3A_618 = arith.constant 80 : index
      %get3A_619 = tpu.vector_load %arg8[%get3A_617, %get3A_618] {strides = array<i32>} : memref<512x128xf32, #tpu.memory_space<vmem>>, vector<1x16xf32>,
      %get3A_620 = vector.shape_cast %get3A_619 : vector<1x16xf32> to vector<16xf32>
      %mul3A_621 = arith.mulf %get3A_620, %get3A_62 : vector<16xf32>
      %get3A_622 = arith.index_cast %add3A_591 : i32 to index
      %get3A_623 = arith.constant 96 : index
      %get3A_624 = tpu.vector_load %arg8[%get3A_622, %get3A_623] {strides = array<i32>} : memref<512x128xf32, #tpu.memory_space<vmem>>, vector<1x16xf32>,
      %get3A_625 = vector.shape_cast %get3A_624 : vector<1x16xf32> to vector<16xf32>
      %mul3A_626 = arith.mulf %get3A_625, %get3A_65 : vector<16xf32>
      %get3A_627 = arith.index_cast %add3A_591 : i32 to index
      %get3A_628 = arith.constant 112 : index
      %get3A_629 = tpu.vector_load %arg8[%get3A_627, %get3A_628] {strides = array<i32>} : memref<512x128xf32, #tpu.memory_space<vmem>>, vector<1x16xf32>,
      %get3A_630 = vector.shape_cast %get3A_629 : vector<1x16xf32> to vector<16xf32>
      %mul3A_631 = arith.mulf %get3A_630, %get3A_68 : vector<16xf32>
      %add3A_632 = arith.addf %mul3A_596, %mul3A_601 : vector<16xf32>
      %add3A_633 = arith.addf %mul3A_606, %mul3A_611 : vector<16xf32>
      %add3A_634 = arith.addf %add3A_632, %add3A_633 : vector<16xf32>
      %add3A_635 = arith.addf %mul3A_616, %mul3A_621 : vector<16xf32>
      %add3A_636 = arith.addf %mul3A_626, %mul3A_631 : vector<16xf32>
      %add3A_637 = arith.addf %add3A_635, %add3A_636 : vector<16xf32>
      %add3A_638 = arith.addf %add3A_634, %add3A_637 : vector<16xf32>
      %mul3A_639 = arith.constant 16 : i32
      %mul3A_640 = arith.muli %scan3A_114, %mul3A_639 : i32
      %add3A_641 = arith.constant 10 : i32
      %add3A_642 = arith.addi %mul3A_640, %add3A_641 : i32
      %get3A_643 = arith.index_cast %add3A_642 : i32 to index
      %get3A_644 = arith.constant 0 : index
      %get3A_645 = tpu.vector_load %arg8[%get3A_643, %get3A_644] {strides = array<i32>} : memref<512x128xf32, #tpu.memory_space<vmem>>, vector<1x16xf32>,
      %get3A_646 = vector.shape_cast %get3A_645 : vector<1x16xf32> to vector<16xf32>
      %mul3A_647 = arith.mulf %get3A_646, %get3A_47 : vector<16xf32>
      %get3A_648 = arith.index_cast %add3A_642 : i32 to index
      %get3A_649 = arith.constant 16 : index
      %get3A_650 = tpu.vector_load %arg8[%get3A_648, %get3A_649] {strides = array<i32>} : memref<512x128xf32, #tpu.memory_space<vmem>>, vector<1x16xf32>,
      %get3A_651 = vector.shape_cast %get3A_650 : vector<1x16xf32> to vector<16xf32>
      %mul3A_652 = arith.mulf %get3A_651, %get3A_50 : vector<16xf32>
      %get3A_653 = arith.index_cast %add3A_642 : i32 to index
      %get3A_654 = arith.constant 32 : index
      %get3A_655 = tpu.vector_load %arg8[%get3A_653, %get3A_654] {strides = array<i32>} : memref<512x128xf32, #tpu.memory_space<vmem>>, vector<1x16xf32>,
      %get3A_656 = vector.shape_cast %get3A_655 : vector<1x16xf32> to vector<16xf32>
      %mul3A_657 = arith.mulf %get3A_656, %get3A_53 : vector<16xf32>
      %get3A_658 = arith.index_cast %add3A_642 : i32 to index
      %get3A_659 = arith.constant 48 : index
      %get3A_660 = tpu.vector_load %arg8[%get3A_658, %get3A_659] {strides = array<i32>} : memref<512x128xf32, #tpu.memory_space<vmem>>, vector<1x16xf32>,
      %get3A_661 = vector.shape_cast %get3A_660 : vector<1x16xf32> to vector<16xf32>
      %mul3A_662 = arith.mulf %get3A_661, %get3A_56 : vector<16xf32>
      %get3A_663 = arith.index_cast %add3A_642 : i32 to index
      %get3A_664 = arith.constant 64 : index
      %get3A_665 = tpu.vector_load %arg8[%get3A_663, %get3A_664] {strides = array<i32>} : memref<512x128xf32, #tpu.memory_space<vmem>>, vector<1x16xf32>,
      %get3A_666 = vector.shape_cast %get3A_665 : vector<1x16xf32> to vector<16xf32>
      %mul3A_667 = arith.mulf %get3A_666, %get3A_59 : vector<16xf32>
      %get3A_668 = arith.index_cast %add3A_642 : i32 to index
      %get3A_669 = arith.constant 80 : index
      %get3A_670 = tpu.vector_load %arg8[%get3A_668, %get3A_669] {strides = array<i32>} : memref<512x128xf32, #tpu.memory_space<vmem>>, vector<1x16xf32>,
      %get3A_671 = vector.shape_cast %get3A_670 : vector<1x16xf32> to vector<16xf32>
      %mul3A_672 = arith.mulf %get3A_671, %get3A_62 : vector<16xf32>
      %get3A_673 = arith.index_cast %add3A_642 : i32 to index
      %get3A_674 = arith.constant 96 : index
      %get3A_675 = tpu.vector_load %arg8[%get3A_673, %get3A_674] {strides = array<i32>} : memref<512x128xf32, #tpu.memory_space<vmem>>, vector<1x16xf32>,
      %get3A_676 = vector.shape_cast %get3A_675 : vector<1x16xf32> to vector<16xf32>
      %mul3A_677 = arith.mulf %get3A_676, %get3A_65 : vector<16xf32>
      %get3A_678 = arith.index_cast %add3A_642 : i32 to index
      %get3A_679 = arith.constant 112 : index
      %get3A_680 = tpu.vector_load %arg8[%get3A_678, %get3A_679] {strides = array<i32>} : memref<512x128xf32, #tpu.memory_space<vmem>>, vector<1x16xf32>,
      %get3A_681 = vector.shape_cast %get3A_680 : vector<1x16xf32> to vector<16xf32>
      %mul3A_682 = arith.mulf %get3A_681, %get3A_68 : vector<16xf32>
      %add3A_683 = arith.addf %mul3A_647, %mul3A_652 : vector<16xf32>
      %add3A_684 = arith.addf %mul3A_657, %mul3A_662 : vector<16xf32>
      %add3A_685 = arith.addf %add3A_683, %add3A_684 : vector<16xf32>
      %add3A_686 = arith.addf %mul3A_667, %mul3A_672 : vector<16xf32>
      %add3A_687 = arith.addf %mul3A_677, %mul3A_682 : vector<16xf32>
      %add3A_688 = arith.addf %add3A_686, %add3A_687 : vector<16xf32>
      %add3A_689 = arith.addf %add3A_685, %add3A_688 : vector<16xf32>
      %mul3A_690 = arith.constant 16 : i32
      %mul3A_691 = arith.muli %scan3A_114, %mul3A_690 : i32
      %add3A_692 = arith.constant 11 : i32
      %add3A_693 = arith.addi %mul3A_691, %add3A_692 : i32
      %get3A_694 = arith.index_cast %add3A_693 : i32 to index
      %get3A_695 = arith.constant 0 : index
      %get3A_696 = tpu.vector_load %arg8[%get3A_694, %get3A_695] {strides = array<i32>} : memref<512x128xf32, #tpu.memory_space<vmem>>, vector<1x16xf32>,
      %get3A_697 = vector.shape_cast %get3A_696 : vector<1x16xf32> to vector<16xf32>
      %mul3A_698 = arith.mulf %get3A_697, %get3A_47 : vector<16xf32>
      %get3A_699 = arith.index_cast %add3A_693 : i32 to index
      %get3A_700 = arith.constant 16 : index
      %get3A_701 = tpu.vector_load %arg8[%get3A_699, %get3A_700] {strides = array<i32>} : memref<512x128xf32, #tpu.memory_space<vmem>>, vector<1x16xf32>,
      %get3A_702 = vector.shape_cast %get3A_701 : vector<1x16xf32> to vector<16xf32>
      %mul3A_703 = arith.mulf %get3A_702, %get3A_50 : vector<16xf32>
      %get3A_704 = arith.index_cast %add3A_693 : i32 to index
      %get3A_705 = arith.constant 32 : index
      %get3A_706 = tpu.vector_load %arg8[%get3A_704, %get3A_705] {strides = array<i32>} : memref<512x128xf32, #tpu.memory_space<vmem>>, vector<1x16xf32>,
      %get3A_707 = vector.shape_cast %get3A_706 : vector<1x16xf32> to vector<16xf32>
      %mul3A_708 = arith.mulf %get3A_707, %get3A_53 : vector<16xf32>
      %get3A_709 = arith.index_cast %add3A_693 : i32 to index
      %get3A_710 = arith.constant 48 : index
      %get3A_711 = tpu.vector_load %arg8[%get3A_709, %get3A_710] {strides = array<i32>} : memref<512x128xf32, #tpu.memory_space<vmem>>, vector<1x16xf32>,
      %get3A_712 = vector.shape_cast %get3A_711 : vector<1x16xf32> to vector<16xf32>
      %mul3A_713 = arith.mulf %get3A_712, %get3A_56 : vector<16xf32>
      %get3A_714 = arith.index_cast %add3A_693 : i32 to index
      %get3A_715 = arith.constant 64 : index
      %get3A_716 = tpu.vector_load %arg8[%get3A_714, %get3A_715] {strides = array<i32>} : memref<512x128xf32, #tpu.memory_space<vmem>>, vector<1x16xf32>,
      %get3A_717 = vector.shape_cast %get3A_716 : vector<1x16xf32> to vector<16xf32>
      %mul3A_718 = arith.mulf %get3A_717, %get3A_59 : vector<16xf32>
      %get3A_719 = arith.index_cast %add3A_693 : i32 to index
      %get3A_720 = arith.constant 80 : index
      %get3A_721 = tpu.vector_load %arg8[%get3A_719, %get3A_720] {strides = array<i32>} : memref<512x128xf32, #tpu.memory_space<vmem>>, vector<1x16xf32>,
      %get3A_722 = vector.shape_cast %get3A_721 : vector<1x16xf32> to vector<16xf32>
      %mul3A_723 = arith.mulf %get3A_722, %get3A_62 : vector<16xf32>
      %get3A_724 = arith.index_cast %add3A_693 : i32 to index
      %get3A_725 = arith.constant 96 : index
      %get3A_726 = tpu.vector_load %arg8[%get3A_724, %get3A_725] {strides = array<i32>} : memref<512x128xf32, #tpu.memory_space<vmem>>, vector<1x16xf32>,
      %get3A_727 = vector.shape_cast %get3A_726 : vector<1x16xf32> to vector<16xf32>
      %mul3A_728 = arith.mulf %get3A_727, %get3A_65 : vector<16xf32>
      %get3A_729 = arith.index_cast %add3A_693 : i32 to index
      %get3A_730 = arith.constant 112 : index
      %get3A_731 = tpu.vector_load %arg8[%get3A_729, %get3A_730] {strides = array<i32>} : memref<512x128xf32, #tpu.memory_space<vmem>>, vector<1x16xf32>,
      %get3A_732 = vector.shape_cast %get3A_731 : vector<1x16xf32> to vector<16xf32>
      %mul3A_733 = arith.mulf %get3A_732, %get3A_68 : vector<16xf32>
      %add3A_734 = arith.addf %mul3A_698, %mul3A_703 : vector<16xf32>
      %add3A_735 = arith.addf %mul3A_708, %mul3A_713 : vector<16xf32>
      %add3A_736 = arith.addf %add3A_734, %add3A_735 : vector<16xf32>
      %add3A_737 = arith.addf %mul3A_718, %mul3A_723 : vector<16xf32>
      %add3A_738 = arith.addf %mul3A_728, %mul3A_733 : vector<16xf32>
      %add3A_739 = arith.addf %add3A_737, %add3A_738 : vector<16xf32>
      %add3A_740 = arith.addf %add3A_736, %add3A_739 : vector<16xf32>
      %mul3A_741 = arith.constant 16 : i32
      %mul3A_742 = arith.muli %scan3A_114, %mul3A_741 : i32
      %add3A_743 = arith.constant 12 : i32
      %add3A_744 = arith.addi %mul3A_742, %add3A_743 : i32
      %get3A_745 = arith.index_cast %add3A_744 : i32 to index
      %get3A_746 = arith.constant 0 : index
      %get3A_747 = tpu.vector_load %arg8[%get3A_745, %get3A_746] {strides = array<i32>} : memref<512x128xf32, #tpu.memory_space<vmem>>, vector<1x16xf32>,
      %get3A_748 = vector.shape_cast %get3A_747 : vector<1x16xf32> to vector<16xf32>
      %mul3A_749 = arith.mulf %get3A_748, %get3A_47 : vector<16xf32>
      %get3A_750 = arith.index_cast %add3A_744 : i32 to index
      %get3A_751 = arith.constant 16 : index
      %get3A_752 = tpu.vector_load %arg8[%get3A_750, %get3A_751] {strides = array<i32>} : memref<512x128xf32, #tpu.memory_space<vmem>>, vector<1x16xf32>,
      %get3A_753 = vector.shape_cast %get3A_752 : vector<1x16xf32> to vector<16xf32>
      %mul3A_754 = arith.mulf %get3A_753, %get3A_50 : vector<16xf32>
      %get3A_755 = arith.index_cast %add3A_744 : i32 to index
      %get3A_756 = arith.constant 32 : index
      %get3A_757 = tpu.vector_load %arg8[%get3A_755, %get3A_756] {strides = array<i32>} : memref<512x128xf32, #tpu.memory_space<vmem>>, vector<1x16xf32>,
      %get3A_758 = vector.shape_cast %get3A_757 : vector<1x16xf32> to vector<16xf32>
      %mul3A_759 = arith.mulf %get3A_758, %get3A_53 : vector<16xf32>
      %get3A_760 = arith.index_cast %add3A_744 : i32 to index
      %get3A_761 = arith.constant 48 : index
      %get3A_762 = tpu.vector_load %arg8[%get3A_760, %get3A_761] {strides = array<i32>} : memref<512x128xf32, #tpu.memory_space<vmem>>, vector<1x16xf32>,
      %get3A_763 = vector.shape_cast %get3A_762 : vector<1x16xf32> to vector<16xf32>
      %mul3A_764 = arith.mulf %get3A_763, %get3A_56 : vector<16xf32>
      %get3A_765 = arith.index_cast %add3A_744 : i32 to index
      %get3A_766 = arith.constant 64 : index
      %get3A_767 = tpu.vector_load %arg8[%get3A_765, %get3A_766] {strides = array<i32>} : memref<512x128xf32, #tpu.memory_space<vmem>>, vector<1x16xf32>,
      %get3A_768 = vector.shape_cast %get3A_767 : vector<1x16xf32> to vector<16xf32>
      %mul3A_769 = arith.mulf %get3A_768, %get3A_59 : vector<16xf32>
      %get3A_770 = arith.index_cast %add3A_744 : i32 to index
      %get3A_771 = arith.constant 80 : index
      %get3A_772 = tpu.vector_load %arg8[%get3A_770, %get3A_771] {strides = array<i32>} : memref<512x128xf32, #tpu.memory_space<vmem>>, vector<1x16xf32>,
      %get3A_773 = vector.shape_cast %get3A_772 : vector<1x16xf32> to vector<16xf32>
      %mul3A_774 = arith.mulf %get3A_773, %get3A_62 : vector<16xf32>
      %get3A_775 = arith.index_cast %add3A_744 : i32 to index
      %get3A_776 = arith.constant 96 : index
      %get3A_777 = tpu.vector_load %arg8[%get3A_775, %get3A_776] {strides = array<i32>} : memref<512x128xf32, #tpu.memory_space<vmem>>, vector<1x16xf32>,
      %get3A_778 = vector.shape_cast %get3A_777 : vector<1x16xf32> to vector<16xf32>
      %mul3A_779 = arith.mulf %get3A_778, %get3A_65 : vector<16xf32>
      %get3A_780 = arith.index_cast %add3A_744 : i32 to index
      %get3A_781 = arith.constant 112 : index
      %get3A_782 = tpu.vector_load %arg8[%get3A_780, %get3A_781] {strides = array<i32>} : memref<512x128xf32, #tpu.memory_space<vmem>>, vector<1x16xf32>,
      %get3A_783 = vector.shape_cast %get3A_782 : vector<1x16xf32> to vector<16xf32>
      %mul3A_784 = arith.mulf %get3A_783, %get3A_68 : vector<16xf32>
      %add3A_785 = arith.addf %mul3A_749, %mul3A_754 : vector<16xf32>
      %add3A_786 = arith.addf %mul3A_759, %mul3A_764 : vector<16xf32>
      %add3A_787 = arith.addf %add3A_785, %add3A_786 : vector<16xf32>
      %add3A_788 = arith.addf %mul3A_769, %mul3A_774 : vector<16xf32>
      %add3A_789 = arith.addf %mul3A_779, %mul3A_784 : vector<16xf32>
      %add3A_790 = arith.addf %add3A_788, %add3A_789 : vector<16xf32>
      %add3A_791 = arith.addf %add3A_787, %add3A_790 : vector<16xf32>
      %mul3A_792 = arith.constant 16 : i32
      %mul3A_793 = arith.muli %scan3A_114, %mul3A_792 : i32
      %add3A_794 = arith.constant 13 : i32
      %add3A_795 = arith.addi %mul3A_793, %add3A_794 : i32
      %get3A_796 = arith.index_cast %add3A_795 : i32 to index
      %get3A_797 = arith.constant 0 : index
      %get3A_798 = tpu.vector_load %arg8[%get3A_796, %get3A_797] {strides = array<i32>} : memref<512x128xf32, #tpu.memory_space<vmem>>, vector<1x16xf32>,
      %get3A_799 = vector.shape_cast %get3A_798 : vector<1x16xf32> to vector<16xf32>
      %mul3A_800 = arith.mulf %get3A_799, %get3A_47 : vector<16xf32>
      %get3A_801 = arith.index_cast %add3A_795 : i32 to index
      %get3A_802 = arith.constant 16 : index
      %get3A_803 = tpu.vector_load %arg8[%get3A_801, %get3A_802] {strides = array<i32>} : memref<512x128xf32, #tpu.memory_space<vmem>>, vector<1x16xf32>,
      %get3A_804 = vector.shape_cast %get3A_803 : vector<1x16xf32> to vector<16xf32>
      %mul3A_805 = arith.mulf %get3A_804, %get3A_50 : vector<16xf32>
      %get3A_806 = arith.index_cast %add3A_795 : i32 to index
      %get3A_807 = arith.constant 32 : index
      %get3A_808 = tpu.vector_load %arg8[%get3A_806, %get3A_807] {strides = array<i32>} : memref<512x128xf32, #tpu.memory_space<vmem>>, vector<1x16xf32>,
      %get3A_809 = vector.shape_cast %get3A_808 : vector<1x16xf32> to vector<16xf32>
      %mul3A_810 = arith.mulf %get3A_809, %get3A_53 : vector<16xf32>
      %get3A_811 = arith.index_cast %add3A_795 : i32 to index
      %get3A_812 = arith.constant 48 : index
      %get3A_813 = tpu.vector_load %arg8[%get3A_811, %get3A_812] {strides = array<i32>} : memref<512x128xf32, #tpu.memory_space<vmem>>, vector<1x16xf32>,
      %get3A_814 = vector.shape_cast %get3A_813 : vector<1x16xf32> to vector<16xf32>
      %mul3A_815 = arith.mulf %get3A_814, %get3A_56 : vector<16xf32>
      %get3A_816 = arith.index_cast %add3A_795 : i32 to index
      %get3A_817 = arith.constant 64 : index
      %get3A_818 = tpu.vector_load %arg8[%get3A_816, %get3A_817] {strides = array<i32>} : memref<512x128xf32, #tpu.memory_space<vmem>>, vector<1x16xf32>,
      %get3A_819 = vector.shape_cast %get3A_818 : vector<1x16xf32> to vector<16xf32>
      %mul3A_820 = arith.mulf %get3A_819, %get3A_59 : vector<16xf32>
      %get3A_821 = arith.index_cast %add3A_795 : i32 to index
      %get3A_822 = arith.constant 80 : index
      %get3A_823 = tpu.vector_load %arg8[%get3A_821, %get3A_822] {strides = array<i32>} : memref<512x128xf32, #tpu.memory_space<vmem>>, vector<1x16xf32>,
      %get3A_824 = vector.shape_cast %get3A_823 : vector<1x16xf32> to vector<16xf32>
      %mul3A_825 = arith.mulf %get3A_824, %get3A_62 : vector<16xf32>
      %get3A_826 = arith.index_cast %add3A_795 : i32 to index
      %get3A_827 = arith.constant 96 : index
      %get3A_828 = tpu.vector_load %arg8[%get3A_826, %get3A_827] {strides = array<i32>} : memref<512x128xf32, #tpu.memory_space<vmem>>, vector<1x16xf32>,
      %get3A_829 = vector.shape_cast %get3A_828 : vector<1x16xf32> to vector<16xf32>
      %mul3A_830 = arith.mulf %get3A_829, %get3A_65 : vector<16xf32>
      %get3A_831 = arith.index_cast %add3A_795 : i32 to index
      %get3A_832 = arith.constant 112 : index
      %get3A_833 = tpu.vector_load %arg8[%get3A_831, %get3A_832] {strides = array<i32>} : memref<512x128xf32, #tpu.memory_space<vmem>>, vector<1x16xf32>,
      %get3A_834 = vector.shape_cast %get3A_833 : vector<1x16xf32> to vector<16xf32>
      %mul3A_835 = arith.mulf %get3A_834, %get3A_68 : vector<16xf32>
      %add3A_836 = arith.addf %mul3A_800, %mul3A_805 : vector<16xf32>
      %add3A_837 = arith.addf %mul3A_810, %mul3A_815 : vector<16xf32>
      %add3A_838 = arith.addf %add3A_836, %add3A_837 : vector<16xf32>
      %add3A_839 = arith.addf %mul3A_820, %mul3A_825 : vector<16xf32>
      %add3A_840 = arith.addf %mul3A_830, %mul3A_835 : vector<16xf32>
      %add3A_841 = arith.addf %add3A_839, %add3A_840 : vector<16xf32>
      %add3A_842 = arith.addf %add3A_838, %add3A_841 : vector<16xf32>
      %mul3A_843 = arith.constant 16 : i32
      %mul3A_844 = arith.muli %scan3A_114, %mul3A_843 : i32
      %add3A_845 = arith.constant 14 : i32
      %add3A_846 = arith.addi %mul3A_844, %add3A_845 : i32
      %get3A_847 = arith.index_cast %add3A_846 : i32 to index
      %get3A_848 = arith.constant 0 : index
      %get3A_849 = tpu.vector_load %arg8[%get3A_847, %get3A_848] {strides = array<i32>} : memref<512x128xf32, #tpu.memory_space<vmem>>, vector<1x16xf32>,
      %get3A_850 = vector.shape_cast %get3A_849 : vector<1x16xf32> to vector<16xf32>
      %mul3A_851 = arith.mulf %get3A_850, %get3A_47 : vector<16xf32>
      %get3A_852 = arith.index_cast %add3A_846 : i32 to index
      %get3A_853 = arith.constant 16 : index
      %get3A_854 = tpu.vector_load %arg8[%get3A_852, %get3A_853] {strides = array<i32>} : memref<512x128xf32, #tpu.memory_space<vmem>>, vector<1x16xf32>,
      %get3A_855 = vector.shape_cast %get3A_854 : vector<1x16xf32> to vector<16xf32>
      %mul3A_856 = arith.mulf %get3A_855, %get3A_50 : vector<16xf32>
      %get3A_857 = arith.index_cast %add3A_846 : i32 to index
      %get3A_858 = arith.constant 32 : index
      %get3A_859 = tpu.vector_load %arg8[%get3A_857, %get3A_858] {strides = array<i32>} : memref<512x128xf32, #tpu.memory_space<vmem>>, vector<1x16xf32>,
      %get3A_860 = vector.shape_cast %get3A_859 : vector<1x16xf32> to vector<16xf32>
      %mul3A_861 = arith.mulf %get3A_860, %get3A_53 : vector<16xf32>
      %get3A_862 = arith.index_cast %add3A_846 : i32 to index
      %get3A_863 = arith.constant 48 : index
      %get3A_864 = tpu.vector_load %arg8[%get3A_862, %get3A_863] {strides = array<i32>} : memref<512x128xf32, #tpu.memory_space<vmem>>, vector<1x16xf32>,
      %get3A_865 = vector.shape_cast %get3A_864 : vector<1x16xf32> to vector<16xf32>
      %mul3A_866 = arith.mulf %get3A_865, %get3A_56 : vector<16xf32>
      %get3A_867 = arith.index_cast %add3A_846 : i32 to index
      %get3A_868 = arith.constant 64 : index
      %get3A_869 = tpu.vector_load %arg8[%get3A_867, %get3A_868] {strides = array<i32>} : memref<512x128xf32, #tpu.memory_space<vmem>>, vector<1x16xf32>,
      %get3A_870 = vector.shape_cast %get3A_869 : vector<1x16xf32> to vector<16xf32>
      %mul3A_871 = arith.mulf %get3A_870, %get3A_59 : vector<16xf32>
      %get3A_872 = arith.index_cast %add3A_846 : i32 to index
      %get3A_873 = arith.constant 80 : index
      %get3A_874 = tpu.vector_load %arg8[%get3A_872, %get3A_873] {strides = array<i32>} : memref<512x128xf32, #tpu.memory_space<vmem>>, vector<1x16xf32>,
      %get3A_875 = vector.shape_cast %get3A_874 : vector<1x16xf32> to vector<16xf32>
      %mul3A_876 = arith.mulf %get3A_875, %get3A_62 : vector<16xf32>
      %get3A_877 = arith.index_cast %add3A_846 : i32 to index
      %get3A_878 = arith.constant 96 : index
      %get3A_879 = tpu.vector_load %arg8[%get3A_877, %get3A_878] {strides = array<i32>} : memref<512x128xf32, #tpu.memory_space<vmem>>, vector<1x16xf32>,
      %get3A_880 = vector.shape_cast %get3A_879 : vector<1x16xf32> to vector<16xf32>
      %mul3A_881 = arith.mulf %get3A_880, %get3A_65 : vector<16xf32>
      %get3A_882 = arith.index_cast %add3A_846 : i32 to index
      %get3A_883 = arith.constant 112 : index
      %get3A_884 = tpu.vector_load %arg8[%get3A_882, %get3A_883] {strides = array<i32>} : memref<512x128xf32, #tpu.memory_space<vmem>>, vector<1x16xf32>,
      %get3A_885 = vector.shape_cast %get3A_884 : vector<1x16xf32> to vector<16xf32>
      %mul3A_886 = arith.mulf %get3A_885, %get3A_68 : vector<16xf32>
      %add3A_887 = arith.addf %mul3A_851, %mul3A_856 : vector<16xf32>
      %add3A_888 = arith.addf %mul3A_861, %mul3A_866 : vector<16xf32>
      %add3A_889 = arith.addf %add3A_887, %add3A_888 : vector<16xf32>
      %add3A_890 = arith.addf %mul3A_871, %mul3A_876 : vector<16xf32>
      %add3A_891 = arith.addf %mul3A_881, %mul3A_886 : vector<16xf32>
      %add3A_892 = arith.addf %add3A_890, %add3A_891 : vector<16xf32>
      %add3A_893 = arith.addf %add3A_889, %add3A_892 : vector<16xf32>
      %mul3A_894 = arith.constant 16 : i32
      %mul3A_895 = arith.muli %scan3A_114, %mul3A_894 : i32
      %add3A_896 = arith.constant 15 : i32
      %add3A_897 = arith.addi %mul3A_895, %add3A_896 : i32
      %get3A_898 = arith.index_cast %add3A_897 : i32 to index
      %get3A_899 = arith.constant 0 : index
      %get3A_900 = tpu.vector_load %arg8[%get3A_898, %get3A_899] {strides = array<i32>} : memref<512x128xf32, #tpu.memory_space<vmem>>, vector<1x16xf32>,
      %get3A_901 = vector.shape_cast %get3A_900 : vector<1x16xf32> to vector<16xf32>
      %mul3A_902 = arith.mulf %get3A_901, %get3A_47 : vector<16xf32>
      %get3A_903 = arith.index_cast %add3A_897 : i32 to index
      %get3A_904 = arith.constant 16 : index
      %get3A_905 = tpu.vector_load %arg8[%get3A_903, %get3A_904] {strides = array<i32>} : memref<512x128xf32, #tpu.memory_space<vmem>>, vector<1x16xf32>,
      %get3A_906 = vector.shape_cast %get3A_905 : vector<1x16xf32> to vector<16xf32>
      %mul3A_907 = arith.mulf %get3A_906, %get3A_50 : vector<16xf32>
      %get3A_908 = arith.index_cast %add3A_897 : i32 to index
      %get3A_909 = arith.constant 32 : index
      %get3A_910 = tpu.vector_load %arg8[%get3A_908, %get3A_909] {strides = array<i32>} : memref<512x128xf32, #tpu.memory_space<vmem>>, vector<1x16xf32>,
      %get3A_911 = vector.shape_cast %get3A_910 : vector<1x16xf32> to vector<16xf32>
      %mul3A_912 = arith.mulf %get3A_911, %get3A_53 : vector<16xf32>
      %get3A_913 = arith.index_cast %add3A_897 : i32 to index
      %get3A_914 = arith.constant 48 : index
      %get3A_915 = tpu.vector_load %arg8[%get3A_913, %get3A_914] {strides = array<i32>} : memref<512x128xf32, #tpu.memory_space<vmem>>, vector<1x16xf32>,
      %get3A_916 = vector.shape_cast %get3A_915 : vector<1x16xf32> to vector<16xf32>
      %mul3A_917 = arith.mulf %get3A_916, %get3A_56 : vector<16xf32>
      %get3A_918 = arith.index_cast %add3A_897 : i32 to index
      %get3A_919 = arith.constant 64 : index
      %get3A_920 = tpu.vector_load %arg8[%get3A_918, %get3A_919] {strides = array<i32>} : memref<512x128xf32, #tpu.memory_space<vmem>>, vector<1x16xf32>,
      %get3A_921 = vector.shape_cast %get3A_920 : vector<1x16xf32> to vector<16xf32>
      %mul3A_922 = arith.mulf %get3A_921, %get3A_59 : vector<16xf32>
      %get3A_923 = arith.index_cast %add3A_897 : i32 to index
      %get3A_924 = arith.constant 80 : index
      %get3A_925 = tpu.vector_load %arg8[%get3A_923, %get3A_924] {strides = array<i32>} : memref<512x128xf32, #tpu.memory_space<vmem>>, vector<1x16xf32>,
      %get3A_926 = vector.shape_cast %get3A_925 : vector<1x16xf32> to vector<16xf32>
      %mul3A_927 = arith.mulf %get3A_926, %get3A_62 : vector<16xf32>
      %get3A_928 = arith.index_cast %add3A_897 : i32 to index
      %get3A_929 = arith.constant 96 : index
      %get3A_930 = tpu.vector_load %arg8[%get3A_928, %get3A_929] {strides = array<i32>} : memref<512x128xf32, #tpu.memory_space<vmem>>, vector<1x16xf32>,
      %get3A_931 = vector.shape_cast %get3A_930 : vector<1x16xf32> to vector<16xf32>
      %mul3A_932 = arith.mulf %get3A_931, %get3A_65 : vector<16xf32>
      %get3A_933 = arith.index_cast %add3A_897 : i32 to index
      %get3A_934 = arith.constant 112 : index
      %get3A_935 = tpu.vector_load %arg8[%get3A_933, %get3A_934] {strides = array<i32>} : memref<512x128xf32, #tpu.memory_space<vmem>>, vector<1x16xf32>,
      %get3A_936 = vector.shape_cast %get3A_935 : vector<1x16xf32> to vector<16xf32>
      %mul3A_937 = arith.mulf %get3A_936, %get3A_68 : vector<16xf32>
      %add3A_938 = arith.addf %mul3A_902, %mul3A_907 : vector<16xf32>
      %add3A_939 = arith.addf %mul3A_912, %mul3A_917 : vector<16xf32>
      %add3A_940 = arith.addf %add3A_938, %add3A_939 : vector<16xf32>
      %add3A_941 = arith.addf %mul3A_922, %mul3A_927 : vector<16xf32>
      %add3A_942 = arith.addf %mul3A_932, %mul3A_937 : vector<16xf32>
      %add3A_943 = arith.addf %add3A_941, %add3A_942 : vector<16xf32>
      %add3A_944 = arith.addf %add3A_940, %add3A_943 : vector<16xf32>
      %broadcast_in_dim3A_945 = vector.shape_cast %xor3A_70 : vector<16xi32> to vector<16x1xi32>
      %gather3A_946 = vector.shape_cast %broadcast_in_dim3A_945 : vector<16x1xi32> to vector<16xi32>
      %gather3A_947 = tpu.dynamic_gather %add3A_179[%gather3A_946] in [0] : vector<16xf32>, vector<16xi32> -> vector<16xf32>
      %add3A_948 = arith.addf %add3A_179, %gather3A_947 : vector<16xf32>
      %broadcast_in_dim3A_949 = vector.shape_cast %xor3A_70 : vector<16xi32> to vector<16x1xi32>
      %gather3A_950 = vector.shape_cast %broadcast_in_dim3A_949 : vector<16x1xi32> to vector<16xi32>
      %gather3A_951 = tpu.dynamic_gather %add3A_230[%gather3A_950] in [0] : vector<16xf32>, vector<16xi32> -> vector<16xf32>
      %add3A_952 = arith.addf %add3A_230, %gather3A_951 : vector<16xf32>
      %select_n3A_953 = arith.select %eq3A_83, %add3A_948, %add3A_952 : vector<16xi1>, vector<16xf32>
      %broadcast_in_dim3A_954 = vector.shape_cast %xor3A_70 : vector<16xi32> to vector<16x1xi32>
      %gather3A_955 = vector.shape_cast %broadcast_in_dim3A_954 : vector<16x1xi32> to vector<16xi32>
      %gather3A_956 = tpu.dynamic_gather %add3A_281[%gather3A_955] in [0] : vector<16xf32>, vector<16xi32> -> vector<16xf32>
      %add3A_957 = arith.addf %add3A_281, %gather3A_956 : vector<16xf32>
      %broadcast_in_dim3A_958 = vector.shape_cast %xor3A_70 : vector<16xi32> to vector<16x1xi32>
      %gather3A_959 = vector.shape_cast %broadcast_in_dim3A_958 : vector<16x1xi32> to vector<16xi32>
      %gather3A_960 = tpu.dynamic_gather %add3A_332[%gather3A_959] in [0] : vector<16xf32>, vector<16xi32> -> vector<16xf32>
      %add3A_961 = arith.addf %add3A_332, %gather3A_960 : vector<16xf32>
      %select_n3A_962 = arith.select %eq3A_83, %add3A_957, %add3A_961 : vector<16xi1>, vector<16xf32>
      %broadcast_in_dim3A_963 = vector.shape_cast %xor3A_70 : vector<16xi32> to vector<16x1xi32>
      %gather3A_964 = vector.shape_cast %broadcast_in_dim3A_963 : vector<16x1xi32> to vector<16xi32>
      %gather3A_965 = tpu.dynamic_gather %add3A_383[%gather3A_964] in [0] : vector<16xf32>, vector<16xi32> -> vector<16xf32>
      %add3A_966 = arith.addf %add3A_383, %gather3A_965 : vector<16xf32>
      %broadcast_in_dim3A_967 = vector.shape_cast %xor3A_70 : vector<16xi32> to vector<16x1xi32>
      %gather3A_968 = vector.shape_cast %broadcast_in_dim3A_967 : vector<16x1xi32> to vector<16xi32>
      %gather3A_969 = tpu.dynamic_gather %add3A_434[%gather3A_968] in [0] : vector<16xf32>, vector<16xi32> -> vector<16xf32>
      %add3A_970 = arith.addf %add3A_434, %gather3A_969 : vector<16xf32>
      %select_n3A_971 = arith.select %eq3A_83, %add3A_966, %add3A_970 : vector<16xi1>, vector<16xf32>
      %broadcast_in_dim3A_972 = vector.shape_cast %xor3A_70 : vector<16xi32> to vector<16x1xi32>
      %gather3A_973 = vector.shape_cast %broadcast_in_dim3A_972 : vector<16x1xi32> to vector<16xi32>
      %gather3A_974 = tpu.dynamic_gather %add3A_485[%gather3A_973] in [0] : vector<16xf32>, vector<16xi32> -> vector<16xf32>
      %add3A_975 = arith.addf %add3A_485, %gather3A_974 : vector<16xf32>
      %broadcast_in_dim3A_976 = vector.shape_cast %xor3A_70 : vector<16xi32> to vector<16x1xi32>
      %gather3A_977 = vector.shape_cast %broadcast_in_dim3A_976 : vector<16x1xi32> to vector<16xi32>
      %gather3A_978 = tpu.dynamic_gather %add3A_536[%gather3A_977] in [0] : vector<16xf32>, vector<16xi32> -> vector<16xf32>
      %add3A_979 = arith.addf %add3A_536, %gather3A_978 : vector<16xf32>
      %select_n3A_980 = arith.select %eq3A_83, %add3A_975, %add3A_979 : vector<16xi1>, vector<16xf32>
      %broadcast_in_dim3A_981 = vector.shape_cast %xor3A_70 : vector<16xi32> to vector<16x1xi32>
      %gather3A_982 = vector.shape_cast %broadcast_in_dim3A_981 : vector<16x1xi32> to vector<16xi32>
      %gather3A_983 = tpu.dynamic_gather %add3A_587[%gather3A_982] in [0] : vector<16xf32>, vector<16xi32> -> vector<16xf32>
      %add3A_984 = arith.addf %add3A_587, %gather3A_983 : vector<16xf32>
      %broadcast_in_dim3A_985 = vector.shape_cast %xor3A_70 : vector<16xi32> to vector<16x1xi32>
      %gather3A_986 = vector.shape_cast %broadcast_in_dim3A_985 : vector<16x1xi32> to vector<16xi32>
      %gather3A_987 = tpu.dynamic_gather %add3A_638[%gather3A_986] in [0] : vector<16xf32>, vector<16xi32> -> vector<16xf32>
      %add3A_988 = arith.addf %add3A_638, %gather3A_987 : vector<16xf32>
      %select_n3A_989 = arith.select %eq3A_83, %add3A_984, %add3A_988 : vector<16xi1>, vector<16xf32>
      %broadcast_in_dim3A_990 = vector.shape_cast %xor3A_70 : vector<16xi32> to vector<16x1xi32>
      %gather3A_991 = vector.shape_cast %broadcast_in_dim3A_990 : vector<16x1xi32> to vector<16xi32>
      %gather3A_992 = tpu.dynamic_gather %add3A_689[%gather3A_991] in [0] : vector<16xf32>, vector<16xi32> -> vector<16xf32>
      %add3A_993 = arith.addf %add3A_689, %gather3A_992 : vector<16xf32>
      %broadcast_in_dim3A_994 = vector.shape_cast %xor3A_70 : vector<16xi32> to vector<16x1xi32>
      %gather3A_995 = vector.shape_cast %broadcast_in_dim3A_994 : vector<16x1xi32> to vector<16xi32>
      %gather3A_996 = tpu.dynamic_gather %add3A_740[%gather3A_995] in [0] : vector<16xf32>, vector<16xi32> -> vector<16xf32>
      %add3A_997 = arith.addf %add3A_740, %gather3A_996 : vector<16xf32>
      %select_n3A_998 = arith.select %eq3A_83, %add3A_993, %add3A_997 : vector<16xi1>, vector<16xf32>
      %broadcast_in_dim3A_999 = vector.shape_cast %xor3A_70 : vector<16xi32> to vector<16x1xi32>
      %gather3A_1000 = vector.shape_cast %broadcast_in_dim3A_999 : vector<16x1xi32> to vector<16xi32>
      %gather3A_1001 = tpu.dynamic_gather %add3A_791[%gather3A_1000] in [0] : vector<16xf32>, vector<16xi32> -> vector<16xf32>
      %add3A_1002 = arith.addf %add3A_791, %gather3A_1001 : vector<16xf32>
      %broadcast_in_dim3A_1003 = vector.shape_cast %xor3A_70 : vector<16xi32> to vector<16x1xi32>
      %gather3A_1004 = vector.shape_cast %broadcast_in_dim3A_1003 : vector<16x1xi32> to vector<16xi32>
      %gather3A_1005 = tpu.dynamic_gather %add3A_842[%gather3A_1004] in [0] : vector<16xf32>, vector<16xi32> -> vector<16xf32>
      %add3A_1006 = arith.addf %add3A_842, %gather3A_1005 : vector<16xf32>
      %select_n3A_1007 = arith.select %eq3A_83, %add3A_1002, %add3A_1006 : vector<16xi1>, vector<16xf32>
      %broadcast_in_dim3A_1008 = vector.shape_cast %xor3A_70 : vector<16xi32> to vector<16x1xi32>
      %gather3A_1009 = vector.shape_cast %broadcast_in_dim3A_1008 : vector<16x1xi32> to vector<16xi32>
      %gather3A_1010 = tpu.dynamic_gather %add3A_893[%gather3A_1009] in [0] : vector<16xf32>, vector<16xi32> -> vector<16xf32>
      %add3A_1011 = arith.addf %add3A_893, %gather3A_1010 : vector<16xf32>
      %broadcast_in_dim3A_1012 = vector.shape_cast %xor3A_70 : vector<16xi32> to vector<16x1xi32>
      %gather3A_1013 = vector.shape_cast %broadcast_in_dim3A_1012 : vector<16x1xi32> to vector<16xi32>
      %gather3A_1014 = tpu.dynamic_gather %add3A_944[%gather3A_1013] in [0] : vector<16xf32>, vector<16xi32> -> vector<16xf32>
      %add3A_1015 = arith.addf %add3A_944, %gather3A_1014 : vector<16xf32>
      %select_n3A_1016 = arith.select %eq3A_83, %add3A_1011, %add3A_1015 : vector<16xi1>, vector<16xf32>
      %broadcast_in_dim3A_1017 = vector.shape_cast %xor3A_73 : vector<16xi32> to vector<16x1xi32>
      %gather3A_1018 = vector.shape_cast %broadcast_in_dim3A_1017 : vector<16x1xi32> to vector<16xi32>
      %gather3A_1019 = tpu.dynamic_gather %select_n3A_953[%gather3A_1018] in [0] : vector<16xf32>, vector<16xi32> -> vector<16xf32>
      %add3A_1020 = arith.addf %select_n3A_953, %gather3A_1019 : vector<16xf32>
      %broadcast_in_dim3A_1021 = vector.shape_cast %xor3A_73 : vector<16xi32> to vector<16x1xi32>
      %gather3A_1022 = vector.shape_cast %broadcast_in_dim3A_1021 : vector<16x1xi32> to vector<16xi32>
      %gather3A_1023 = tpu.dynamic_gather %select_n3A_962[%gather3A_1022] in [0] : vector<16xf32>, vector<16xi32> -> vector<16xf32>
      %add3A_1024 = arith.addf %select_n3A_962, %gather3A_1023 : vector<16xf32>
      %select_n3A_1025 = arith.select %eq3A_89, %add3A_1020, %add3A_1024 : vector<16xi1>, vector<16xf32>
      %broadcast_in_dim3A_1026 = vector.shape_cast %xor3A_73 : vector<16xi32> to vector<16x1xi32>
      %gather3A_1027 = vector.shape_cast %broadcast_in_dim3A_1026 : vector<16x1xi32> to vector<16xi32>
      %gather3A_1028 = tpu.dynamic_gather %select_n3A_971[%gather3A_1027] in [0] : vector<16xf32>, vector<16xi32> -> vector<16xf32>
      %add3A_1029 = arith.addf %select_n3A_971, %gather3A_1028 : vector<16xf32>
      %broadcast_in_dim3A_1030 = vector.shape_cast %xor3A_73 : vector<16xi32> to vector<16x1xi32>
      %gather3A_1031 = vector.shape_cast %broadcast_in_dim3A_1030 : vector<16x1xi32> to vector<16xi32>
      %gather3A_1032 = tpu.dynamic_gather %select_n3A_980[%gather3A_1031] in [0] : vector<16xf32>, vector<16xi32> -> vector<16xf32>
      %add3A_1033 = arith.addf %select_n3A_980, %gather3A_1032 : vector<16xf32>
      %select_n3A_1034 = arith.select %eq3A_89, %add3A_1029, %add3A_1033 : vector<16xi1>, vector<16xf32>
      %broadcast_in_dim3A_1035 = vector.shape_cast %xor3A_73 : vector<16xi32> to vector<16x1xi32>
      %gather3A_1036 = vector.shape_cast %broadcast_in_dim3A_1035 : vector<16x1xi32> to vector<16xi32>
      %gather3A_1037 = tpu.dynamic_gather %select_n3A_989[%gather3A_1036] in [0] : vector<16xf32>, vector<16xi32> -> vector<16xf32>
      %add3A_1038 = arith.addf %select_n3A_989, %gather3A_1037 : vector<16xf32>
      %broadcast_in_dim3A_1039 = vector.shape_cast %xor3A_73 : vector<16xi32> to vector<16x1xi32>
      %gather3A_1040 = vector.shape_cast %broadcast_in_dim3A_1039 : vector<16x1xi32> to vector<16xi32>
      %gather3A_1041 = tpu.dynamic_gather %select_n3A_998[%gather3A_1040] in [0] : vector<16xf32>, vector<16xi32> -> vector<16xf32>
      %add3A_1042 = arith.addf %select_n3A_998, %gather3A_1041 : vector<16xf32>
      %select_n3A_1043 = arith.select %eq3A_89, %add3A_1038, %add3A_1042 : vector<16xi1>, vector<16xf32>
      %broadcast_in_dim3A_1044 = vector.shape_cast %xor3A_73 : vector<16xi32> to vector<16x1xi32>
      %gather3A_1045 = vector.shape_cast %broadcast_in_dim3A_1044 : vector<16x1xi32> to vector<16xi32>
      %gather3A_1046 = tpu.dynamic_gather %select_n3A_1007[%gather3A_1045] in [0] : vector<16xf32>, vector<16xi32> -> vector<16xf32>
      %add3A_1047 = arith.addf %select_n3A_1007, %gather3A_1046 : vector<16xf32>
      %broadcast_in_dim3A_1048 = vector.shape_cast %xor3A_73 : vector<16xi32> to vector<16x1xi32>
      %gather3A_1049 = vector.shape_cast %broadcast_in_dim3A_1048 : vector<16x1xi32> to vector<16xi32>
      %gather3A_1050 = tpu.dynamic_gather %select_n3A_1016[%gather3A_1049] in [0] : vector<16xf32>, vector<16xi32> -> vector<16xf32>
      %add3A_1051 = arith.addf %select_n3A_1016, %gather3A_1050 : vector<16xf32>
      %select_n3A_1052 = arith.select %eq3A_89, %add3A_1047, %add3A_1051 : vector<16xi1>, vector<16xf32>
      %broadcast_in_dim3A_1053 = vector.shape_cast %xor3A_76 : vector<16xi32> to vector<16x1xi32>
      %gather3A_1054 = vector.shape_cast %broadcast_in_dim3A_1053 : vector<16x1xi32> to vector<16xi32>
      %gather3A_1055 = tpu.dynamic_gather %select_n3A_1025[%gather3A_1054] in [0] : vector<16xf32>, vector<16xi32> -> vector<16xf32>
      %add3A_1056 = arith.addf %select_n3A_1025, %gather3A_1055 : vector<16xf32>
      %broadcast_in_dim3A_1057 = vector.shape_cast %xor3A_76 : vector<16xi32> to vector<16x1xi32>
      %gather3A_1058 = vector.shape_cast %broadcast_in_dim3A_1057 : vector<16x1xi32> to vector<16xi32>
      %gather3A_1059 = tpu.dynamic_gather %select_n3A_1034[%gather3A_1058] in [0] : vector<16xf32>, vector<16xi32> -> vector<16xf32>
      %add3A_1060 = arith.addf %select_n3A_1034, %gather3A_1059 : vector<16xf32>
      %select_n3A_1061 = arith.select %eq3A_95, %add3A_1056, %add3A_1060 : vector<16xi1>, vector<16xf32>
      %broadcast_in_dim3A_1062 = vector.shape_cast %xor3A_76 : vector<16xi32> to vector<16x1xi32>
      %gather3A_1063 = vector.shape_cast %broadcast_in_dim3A_1062 : vector<16x1xi32> to vector<16xi32>
      %gather3A_1064 = tpu.dynamic_gather %select_n3A_1043[%gather3A_1063] in [0] : vector<16xf32>, vector<16xi32> -> vector<16xf32>
      %add3A_1065 = arith.addf %select_n3A_1043, %gather3A_1064 : vector<16xf32>
      %broadcast_in_dim3A_1066 = vector.shape_cast %xor3A_76 : vector<16xi32> to vector<16x1xi32>
      %gather3A_1067 = vector.shape_cast %broadcast_in_dim3A_1066 : vector<16x1xi32> to vector<16xi32>
      %gather3A_1068 = tpu.dynamic_gather %select_n3A_1052[%gather3A_1067] in [0] : vector<16xf32>, vector<16xi32> -> vector<16xf32>
      %add3A_1069 = arith.addf %select_n3A_1052, %gather3A_1068 : vector<16xf32>
      %select_n3A_1070 = arith.select %eq3A_95, %add3A_1065, %add3A_1069 : vector<16xi1>, vector<16xf32>
      %broadcast_in_dim3A_1071 = vector.shape_cast %xor3A_79 : vector<16xi32> to vector<16x1xi32>
      %gather3A_1072 = vector.shape_cast %broadcast_in_dim3A_1071 : vector<16x1xi32> to vector<16xi32>
      %gather3A_1073 = tpu.dynamic_gather %select_n3A_1061[%gather3A_1072] in [0] : vector<16xf32>, vector<16xi32> -> vector<16xf32>
      %add3A_1074 = arith.addf %select_n3A_1061, %gather3A_1073 : vector<16xf32>
      %broadcast_in_dim3A_1075 = vector.shape_cast %xor3A_79 : vector<16xi32> to vector<16x1xi32>
      %gather3A_1076 = vector.shape_cast %broadcast_in_dim3A_1075 : vector<16x1xi32> to vector<16xi32>
      %gather3A_1077 = tpu.dynamic_gather %select_n3A_1070[%gather3A_1076] in [0] : vector<16xf32>, vector<16xi32> -> vector<16xf32>
      %add3A_1078 = arith.addf %select_n3A_1070, %gather3A_1077 : vector<16xf32>
      %select_n3A_1079 = arith.select %eq3A_101, %add3A_1074, %add3A_1078 : vector<16xi1>, vector<16xf32>
      %add3A_1080 = arith.addf %gather3A_108, %select_n3A_1079 : vector<16xf32>
      %max3A = arith.constant 0.000000e+00 : f32
      %max3A_1081 = vector.broadcast %max3A : f32 to vector<16xf32>
      %max3A_1082 = arith.maximumf %add3A_1080, %max3A_1081 : vector<16xf32>
      %neg3A = arith.constant 0.000000e+00 : f32
      %neg3A_1083 = vector.broadcast %neg3A : f32 to vector<16xf32>
      %neg3A_1084 = arith.subf %neg3A_1083, %max3A_1082 : vector<16xf32>
      %exp3A = math.exp %neg3A_1084 : vector<16xf32>
      %add3A_1085 = arith.constant 1.000000e+00 : f32
      %add3A_1086 = vector.broadcast %add3A_1085 : f32 to vector<16xf32>
      %add3A_1087 = arith.addf %add3A_1086, %exp3A : vector<16xf32>
      %div3A = arith.constant 1.000000e+00 : f32
      %div3A_1088 = vector.broadcast %div3A : f32 to vector<16xf32>
      %div3A_1089 = arith.divf %div3A_1088, %add3A_1087 : vector<16xf32>
      %mul3A_1090 = arith.constant 16 : i32
      %mul3A_1091 = arith.muli %scan3A_114, %mul3A_1090 : i32
      %swap3A = arith.index_cast %mul3A_1091 : i32 to index
      %swap3A_1092 = tpu.vector_load %arg11[%swap3A] {strides = array<i32>} : memref<512xf32, #tpu.memory_space<vmem>>, vector<16xf32>,
      %swap3A_1093 = vector.shape_cast %swap3A_1092 : vector<16xf32> to vector<16xf32>
      %swap3A_1094 = vector.shape_cast %div3A_1089 : vector<16xf32> to vector<16xf32>
      tpu.vector_store %arg11[%swap3A], %swap3A_1094 {strides = array<i32>} : memref<512xf32, #tpu.memory_space<vmem>>, vector<16xf32>,
    }
    %scan3A_113 = arith.constant 32 : i32
    "tpu.region"() ({
      %run_scoped3A = tpu.sem_alloc : memref<!tpu.dma_semaphore, #tpu.memory_space<semaphore_mem>>
      %dma_start3A_114 = tpu.memref_slice %arg6[%mul3A_2] : memref<16384xf32, #tpu.memory_space<hbm>> -> memref<512xf32, #tpu.memory_space<hbm>>
      %dma_start3A_115 = tpu.memref_slice %arg6[%mul3A_2] : memref<16384xf32, #tpu.memory_space<hbm>> -> memref<512xf32, #tpu.memory_space<hbm>>
      tpu.enqueue_dma source(%arg11 : memref<512xf32, #tpu.memory_space<vmem>>) target(%dma_start3A_115 : memref<512xf32, #tpu.memory_space<hbm>>) target_semaphore(%run_scoped3A : memref<!tpu.dma_semaphore, #tpu.memory_space<semaphore_mem>>)
      %dma_wait3A = tpu.memref_slice %arg6[%mul3A_2] : memref<16384xf32, #tpu.memory_space<hbm>> -> memref<512xf32, #tpu.memory_space<hbm>>
      %dma_wait3A_116 = tpu.memref_slice %arg6[%mul3A_2] : memref<16384xf32, #tpu.memory_space<hbm>> -> memref<512xf32, #tpu.memory_space<hbm>>
      tpu.wait_dma2 semaphore(%run_scoped3A : memref<!tpu.dma_semaphore, #tpu.memory_space<semaphore_mem>>) src(%arg11 : memref<512xf32, #tpu.memory_space<vmem>>) dst(%dma_wait3A_116 : memref<512xf32, #tpu.memory_space<hbm>>)
      tpu.yield
    }) : () -> ()
    return
  }
}

</mosaic_0001>

<sc_bundles>
// kernel: _classify.3.cloned.1.call-start
scs
__scs_entry_jumppad:
0x0: {  	(pc) =	sbr.rel $0x88, $3  }
0x1: {  	(tag) =	ssettag $0x0;
	lr =	simm.s32 $0x1  }
0x2: {  	[smem:$0x3F9D] =	sst lr;
	_ =	strace $0xD0000000  }
0x3: {  	_ = 	snop  }
0x4: {  	_ = 	snop  }
0x5: {  	_ = 	snop  }
0x6: {  	_ = 	snop  }
0x7: {  	_ = 	snop  }
__scs_overlays_trampoline_lowered:
0x8: {  	[smem:$0x3FAC] =	sst s0  }
0x9: {  	[smem:$0x3FAD] =	sst s1  }
0xa: {  	[smem:$0x3FAE] =	sst s2  }
0xb: {  	[smem:$0x3FAF] =	sst s3  }
0xc: {  	[smem:$0x3FB0] =	sst s4  }
0xd: {  	[smem:$0x3FB1] =	sst s5  }
0xe: {  	[smem:$0x3FB2] =	sst s6  }
0xf: {  	[smem:$0x3FB3] =	sst s7  }
0x10: {  	[smem:$0x3FB4] =	sst s8  }
0x11: {  	[smem:$0x3FB5] =	sst s9;
	s0 =	simm.s32 @!p0 $0x0  }
0x12: {  	s1 =	sld [smem:$0x3F9B];
	s0 =	simm.s32 @p0 $0x1  }
0x13: {  	[smem:$0x3FB6] =	sst s0;
	s0 =	simm.s32 @!p1 $0x0  }
0x14: {  	s2 =	sld [smem:$0x3F9A];
	s0 =	simm.s32 @p1 $0x1  }
0x15: {  	[smem:$0x3FB7] =	sst s0;
	s0 =	simm.s32 @!p2 $0x0  }
0x16: {  	s3 =	sld [smem:$0x3FDB];
	s0 =	simm.s32 @p2 $0x1  }
0x17: {  	s4 =	simm.s32 $0x1BF5;
	[smem:$0x3FB9] =	sst s0  }
0x18: {  	s0 =	sld [smem:$0x3F9C];
	_ =	swait.ge [sflag:s4], $0x0  }
0x19: {  	s7 =	sld [smem:$0x3F9D]  }
0x1a: {  	s8 =	sadd.s32 $0xFFFFE003, lr  }
0x1b: {  	s9 =	sadd.s32 $0xFFFFFEF7, lr;
	s5 =	simm.s32 $0xFFFFFFFF;
	p2 =	slt.u32 s8, $0xFFFFF086  }
0x1c: {  	p1 =	slt.u32 s9, $0xF7A;
	s5 =	simm.s32 @!p2 $0x0  }
0x1d: {  	s5 =	simm.s32 @p1 $0x1;
	p0 =	seq.s32 s7, s2  }
0x1e: {  	s7 =	smul.u32 @!p0 $0xF7A, s2;
	p2 =	seq.s32 @!p0 s5, $0x0  }
0x1f: {  	s9 =	smul.u32 $0xF7A, s1;
	s8 =	simm.s32 @!p0 $0x1BF5;
	p2 =	por !p2, p0  }
0x20: {  	[sflag:s8] =	ssyncset.s32 @!p0 $0xFFFFF086;
	s6 =	sadd.s32 @!p0 s3, s7;
	s7 =	simm.s32 @!p0 $0x108  }
0x21: {  	s3 =	sadd.s32 s3, s9;
	s6 =	sadd.s32 @!p0 $0x88, s6;
	s7 =	simm.s32 @p2 $0x1082  }
0x22: {  	[simem:s7], [sflag:s8] =	dma.local @!p0 [hbm:s6], $0xF7A  }
0x23: {  	s9 =	sor.u32 $0xD0000000, s2;
	s6 =	simm.s32 $0x108;
	_ =	swait.ge @!p0 [sflag:s8], $0x0  }
0x24: {  	s3 =	sadd.s32 $0x88, s3;
	s6 =	simm.s32 @!p1 $0x1082;
	[sflag:s4] =	ssyncset.s32 $0xFFFFF086  }
0x25: {  	[simem:s6], [sflag:s4] =	dma.local [hbm:s3], $0xF7A  }
0x26: {  	[smem:$0x3F9D] =	sst s1;
	(tag) =	ssettag s2;
	_ =	strace s9  }
0x27: {  	s1 =	sld [smem:$0x3FAD]  }
0x28: {  	s2 =	sld [smem:$0x3FAE]  }
0x29: {  	s4 =	sld [smem:$0x3FB0]  }
0x2a: {  	p0 =	seq.s32 s5, $0x0;
	s5 =	sld [smem:$0x3FB1]  }
0x2b: {  	s6 =	sld [smem:$0x3FB2]  }
0x2c: {  	s7 =	sld [smem:$0x3FB3]  }
0x2d: {  	s3 =	simm.s32 $0x108;
	s8 =	sld [smem:$0x3FB4]  }
0x2e: {  	s3 =	simm.s32 @!p0 $0x1082;
	s9 =	sld [smem:$0x3FB5]  }
0x2f: {  	lr =	sadd.s32 s0, s3;
	s0 =	sld [smem:$0x3FAC]  }
0x30: {  	s3 =	sld [smem:$0x3FAF]  }
0x31: {  	[smem:$0x3FB8] =	sst s10  }
0x32: {  	s10 =	sld [smem:$0x3FB6];
	_ =	sdelay $0x3  }
0x33: {  	p0 =	seq.s32 s10, $0x1;
	s10 =	sld [smem:$0x3FB8];
	_ =	sdelay $0x3  }
0x34: {  	[smem:$0x3FB8] =	sst s10  }
0x35: {  	s10 =	sld [smem:$0x3FB7];
	_ =	sdelay $0x3  }
0x36: {  	p1 =	seq.s32 s10, $0x1;
	s10 =	sld [smem:$0x3FB8];
	_ =	sdelay $0x3  }
0x37: {  	[smem:$0x3FB8] =	sst s10  }
0x38: {  	s10 =	sld [smem:$0x3FB9]  }
0x39: {  	_ = 	snop;
	(pc) =	sbr.ind lr, $3  }
0x3a: {  	_ = 	snop  }
0x3b: {  	_ = 	snop  }
0x3c: {  	p2 =	seq.s32 s10, $0x1;
	s10 =	sld [smem:$0x3FB8]  }
0x3d: {  	_ =	shalt  }
0x3e: {  	_ =	shalt  }
0x3f: {  	_ =	shalt  }
0x40: {  	_ =	shalt  }
0x41: {  	_ =	shalt  }
0x42: {  	_ =	shalt  }
0x43: {  	_ =	shalt  }
0x44: {  	_ =	shalt  }
0x45: {  	_ =	shalt  }
0x46: {  	_ =	shalt  }
0x47: {  	_ =	shalt  }
0x48: {  	_ =	shalt  }
0x49: {  	_ =	shalt  }
0x4a: {  	_ =	shalt  }
0x4b: {  	_ =	shalt  }
0x4c: {  	_ =	shalt  }
0x4d: {  	_ =	shalt  }
0x4e: {  	_ =	shalt  }
0x4f: {  	_ =	shalt  }
0x50: {  	_ =	shalt  }
0x51: {  	_ =	shalt  }
0x52: {  	_ =	shalt  }
0x53: {  	_ =	shalt  }
0x54: {  	_ =	shalt  }
0x55: {  	_ =	shalt  }
0x56: {  	_ =	shalt  }
0x57: {  	_ =	shalt  }
0x58: {  	_ =	shalt  }
0x59: {  	_ =	shalt  }
0x5a: {  	_ =	shalt  }
0x5b: {  	_ =	shalt  }
0x5c: {  	_ =	shalt  }
0x5d: {  	_ =	shalt  }
0x5e: {  	_ =	shalt  }
0x5f: {  	_ =	shalt  }
0x60: {  	_ =	shalt  }
0x61: {  	_ =	shalt  }
0x62: {  	_ =	shalt  }
0x63: {  	_ =	shalt  }
0x64: {  	_ =	shalt  }
0x65: {  	_ =	shalt  }
0x66: {  	_ =	shalt  }
0x67: {  	_ =	shalt  }
0x68: {  	_ =	shalt  }
0x69: {  	_ =	shalt  }
0x6a: {  	_ =	shalt  }
0x6b: {  	_ =	shalt  }
0x6c: {  	_ =	shalt  }
0x6d: {  	_ =	shalt  }
0x6e: {  	_ =	shalt  }
0x6f: {  	_ =	shalt  }
0x70: {  	_ =	shalt  }
0x71: {  	_ =	shalt  }
0x72: {  	_ =	shalt  }
0x73: {  	_ =	shalt  }
0x74: {  	_ =	shalt  }
0x75: {  	_ =	shalt  }
0x76: {  	_ =	shalt  }
0x77: {  	_ =	shalt  }
0x78: {  	_ =	shalt  }
0x79: {  	_ =	shalt  }
0x7a: {  	_ =	shalt  }
0x7b: {  	_ =	shalt  }
0x7c: {  	_ =	shalt  }
0x7d: {  	_ =	shalt  }
0x7e: {  	_ =	shalt  }
0x7f: {  	_ =	shalt  }
0x80: {  	_ =	shalt  }
0x81: {  	_ =	shalt  }
0x82: {  	_ =	shalt  }
0x83: {  	_ =	shalt  }
0x84: {  	_ =	shalt  }
0x85: {  	_ =	shalt  }
0x86: {  	_ =	shalt  }
0x87: {  	_ =	shalt  }
.Lfunc_end0:
.L_simem_size_0:
called_computation_lowered:
.L_overlay_start_0:
0x88: {  	s2 =	sld [smem:$0x3FD9]  }
0x89: {  	s3 =	sld [smem:$0x3FFE];
	_ =	sdelay $0x1  }
0x8a: {  	s1 =	srdreg.scid  }
0x8b: {  	s0 =	sand.u32 $0x1, s1  }
0x8c: {  	s18 =	sshll.u32 s0, $0xA;
	s2 =	sadd.s32 s3, s2  }
0x8d: {  	s2 =	sadd.s32 s2, s18  }
0x8e: {  	[smem:$0x3FC4] =	sst s2  }
0x8f: {  	_ = 	snop  }
0x90: {  	s2 =	sld [smem:$0x3FC9]  }
0x91: {  	s19 =	sld [smem:$0x3FC8]  }
0x92: {  	s4 =	sld [smem:$0x3FC7]  }
0x93: {  	s5 =	sld [smem:$0x3FC6]  }
0x94: {  	s6 =	sld [smem:$0x3FD0];
	(tm) =	ssettm $0x1  }
0x95: {  	s7 =	sld [smem:$0x3FFB];
	_ =	sdelay $0x3  }
0x96: {  	_ =	strace s7  }
0x97: {  	s7 =	sld [smem:$0x3FFC];
	_ =	sdelay $0x3  }
0x98: {  	_ =	strace s7  }
0x99: {  	s7 =	sld [smem:$0x3FFD];
	_ =	sdelay $0x3  }
0x9a: {  	_ =	strace s7  }
0x9b: {  	_ =	strace $0x8FFFFFFF  }
0x9c: {  	s20 =	sld [smem:$0x3FDB];
	_ =	sdelay $0x1  }
0x9d: {  	s8 =	simm.s32 $_scs_section_size  }
0x9e: {  	s9 =	simm.s32 $_size__tile_overlayer_lowered;
	s10 =	simm.s32 $_tile_overlayer_lowered  }
0x9f: {  	s23 =	simm.s32 $0x1BFF;
	s22 =	sshll.u32 s10, $0x1;
	s7 =	sadd.s32 s8, s20  }
0xa0: {  	s11 =	simm.s32 $0x0;
	s21 =	sshll.u32 s9, $0x1;
	s9 =	sadd.s32 s22, s7  }
0xa1: {  	[timem:s11], [sflag:s23] =	dma.local [hbm:s9], s21  }
0xa2: {  	_ =	swait.ge [sflag:s23], s21  }
0xa3: {  	s8 =	ssub.s32 $0x0, s21;
	[sflag:s23] =	ssyncset.done $0x0  }
0xa4: {  	[sflag:s23] =	ssyncadd.s32 s8;
	_ =	sdelay $0x1  }
0xa5: {  	s24 =	simm.s32 $0x1B8B  }
0xa6: {  	_ =	swait.ge [sflag:s24], $0x1  }
0xa7: {  	[sflag:s24] =	ssyncset.done $0x0  }
0xa8: {  	s25 =	simm.s32 $0x1B8E;
	[sflag:s24] =	ssyncadd.s32 $0xFFFFFFFF  }
0xa9: {  	s26 =	simm.s32 $execute0_lowered;
	[smem:$0x3FD2] =	sst s25  }
0xaa: {  	s8 =	sshll.u32 s26, $0x1;
	_ =	strace $0x80000046;
	[dreg:$0x1] =	wrdreg $0xFFFFFFFF  }
0xab: {  	s28 =	simm.s32 $_size_execute0_lowered;
	s7 =	sadd.s32 s7, s8;
	[dreg:$0x0] =	wrdreg $0x0  }
0xac: {  	s8 =	sshll.u32 s28, $0x1;
	[dreg:$0x2] =	wrdreg s7  }
0xad: {  	[dreg:$0x3] =	wrdreg s8  }
0xae: {  	[dreg:$0x4] =	wrdreg $0xC0  }
0xaf: {  	_ =	task [dreg:s11], $0x5FFFF  }
0xb0: {  	[dreg:$0x1] =	wrdreg $0xFFFFFFFF  }
0xb1: {  	[dreg:$0x0] =	wrdreg $0x60  }
0xb2: {  	[dreg:$0x2] =	wrdreg s2  }
0xb3: {  	[dreg:$0x3] =	wrdreg s19  }
0xb4: {  	[dreg:$0x4] =	wrdreg s4  }
0xb5: {  	[dreg:$0x5] =	wrdreg s5  }
0xb6: {  	[dreg:$0x6] =	wrdreg s6  }
0xb7: {  	[dreg:$0x7] =	wrdreg $0x9  }
0xb8: {  	_ =	task.clear_ibuf [dreg:s11], $0x8FFFF;
	_ =	strace $0x90000046  }
0xb9: {  	s29 =	simm.s32 $0x9;
	_ =	strace $0x80000048  }
0xba: {  	_ =	swait.ge [sflag:s29], $0x1  }
0xbb: {  	[sflag:s29] =	ssyncadd.s32 $0xFFFFFFFF  }
0xbc: {  	_ =	strace $0x90000048  }
0xbd: {  	_ =	sfence  }
0xbe: {  	s30 =	sld [smem:$0x0];
	_ =	sdelay $0x2  }
0xbf: {  	s31 =	sshll.u32 s1, $0xD;
	s1 =	sshrl.u32 s1, $0x2  }
0xc0: {  	s3 =	sand.u32 $0x4000, s31;
	s1 =	sadd.s32 s1, s30  }
0xc1: {  	s0 =	sor.u32 s3, s0;
	s1 =	sshll.u32 s1, $0x11  }
0xc2: {  	s0 =	sor.u32 s1, s0  }
0xc3: {  	s0 =	sadd.s32 $0x8F2B, s0  }
0xc4: {  	[sflag:s0] =	ssyncadd.remote.s32 $0x1  }
0xc5: {  	_ =	sfence.sel $0xFFFF  }
0xc6: {  	[dreg:$0x0] =	wrdreg $0xFFFFFFFF;
	(pc) =	sbr.abs _section_cstart, $3  }
0xc7: {  	[dreg:$0x1] =	wrdreg $0xFFFFFFFF  }
0xc8: {  	_ =	task.clear_ibuf [dreg:s11], $0x2FFFF;
	_ =	strace $0x9FFFFFFF  }
0xc9: {  	(tm) =	ssettm $0x7FFFFFFF  }
tec
execute0_lowered:
.L_overlay_start_1:
0x0: {  	(tag) =	ssettag $0x1  }
0x1: {  	v0 =	vimm.s32 $0xEFCDAB89;
	v1 =	vimm.s32 $0x67452301  }
0x2: {  	vm0 =	vcmask $0xB08;
	v0 =	vunpack.c.l.s4.s8 v0;
	v1 =	vunpack.c.l.s4.s8 v1  }
0x3: {  	vm1 =	vcmask $0x300;
	v2 =	vimm.s32 $0x54761032;
	vm2 =	vcmask $0x1710  }
0x4: {  	vm3 =	vcmask $0x700;
	v0 =	vunpack.c.0.s8.s32 v0;
	v1 =	vunpack.c.0.s8.s32 v1  }
0x5: {  	v3 =	vimm.s32 $0xBA98FEDC;
	v4 =	vimm.s32 $0x32107654;
	v5 =	vimm.s32 $0x76543210  }
0x6: {  	vm0 =	vmor vm1, vm0;
	v1 =	vcombine.low v1, v0;
	v0 =	vimm.s32 $0xDCFE98BA  }
0x7: {  	s6 =	rddreg [dreg:$0x0];
	vm1 =	vcmask $0x1310;
	v2 =	vunpack.c.l.s4.s8 v2;
	v0 =	vunpack.c.l.s4.s8 v0  }
0x8: {  	s0 =	rddreg [dreg:$0x1];
	vm2 =	vmor vm3, vm2;
	vm3 =	vcmask $0x2720;
	v3 =	vunpack.c.l.s4.s8 v3  }
0x9: {  	s1 =	rddreg [dreg:$0x2];
	v4 =	vunpack.c.l.s4.s8 v4;
	v2 =	vunpack.c.0.s8.s32 v2;
	v0 =	vunpack.c.0.s8.s32 v0  }
0xa: {  	s2 =	rddreg [dreg:$0x3];
	v5 =	vunpack.c.l.s4.s8 v5;
	vm0 =	vmor vm0, vm1;
	vm1 =	vcmask $0x1B18  }
0xb: {  	s7 =	rddreg [dreg:$0x4];
	s5 =	srdreg.scid;
	vm0 =	vmor vm0, vm1;
	vm1 =	vcmask $0x2320;
	v2 =	vcombine.low v2, v0  }
0xc: {  	s3 =	rddreg [dreg:$0x5];
	s4 =	simm.s32 $0x0;
	s12 =	simm.s32 $0x4200;
	v0 =	vunpack.c.0.s8.s32 v3;
	v3 =	vunpack.c.0.s8.s32 v4;
	v4 =	vimm.s32 $0xFEDCBA98  }
0xd: {  	s13 =	simm.s32 $0x100;
	s14 =	simm.s32 $0x8200;
	s15 =	simm.s32 $0x180;
	vm0 =	vmor vm0, vm1;
	vm1 =	vcmask $0x2B28;
	v4 =	vunpack.c.l.s4.s8 v4  }
0xe: {  	s16 =	simm.s32 $0xC200;
	s17 =	simm.s32 $0x10200;
	s18 =	simm.s32 $0x10280;
	v5 =	vunpack.c.0.s8.s32 v5;
	vm0 =	vmor vm0, vm1;
	vm1 =	vcmask $0x3330  }
0xf: {  	s19 =	simm.s32 $0x10300;
	s20 =	simm.s32 $0x0;
	s8 =	sand.u32 $0x1, s5;
	vm0 =	vmor vm0, vm1;
	vm1 =	vcmask $0x3B38;
	v4 =	vunpack.c.0.s8.s32 v4  }
0x10: {  	[smem:$0x7FF] =	sst s4;
	s5 =	stileid.u32;
	s9 =	ssub.s32 $0x2, s8;
	vm0 =	vmor vm0, vm1;
	vm1 =	vmor vm2, vm3;
	vm2 =	vcmask $0x3730  }
0x11: {  	s11 =	sshll.u32 s5, $0x7;
	s8 =	sshll.u32 s8, $0x6;
	_ =	strace $0x80000047;
	vm3 =	vcmask $0xF00;
	vm1 =	vmor vm1, vm2;
	v4 =	vand.u32 $0xF, v4  }
0x12: {  	s10 =	sshrl.u32 s9, $0x1;
	s8 =	sor.u32 s8, s11;
	s11 =	simm.s32 $0x200;
	vm2 =	vcmask $0x2F20;
	v3 =	vcombine.low v3, v0;
	v15 =	vcombine.low v4, v5  }
0x13: {  	s9 =	ssub.s32 s9, s10;
	s6 =	sadd.s32 s6, s8;
	s7 =	sadd.s32 s7, s8;
	v1 =	vand.u32 $0xF, v1;
	vm2 =	vmor vm3, vm2  }
0x14: {  	s10 =	simm.s32 $0x80;
	s8 =	smax.u32 s9, $0x1;
	s9 =	simm.s32 $0x5;
	vm3 =	vmmov $0xff;
	v2 =	vand.u32 $0xF, v2;
	v3 =	vand.u32 $0xF, v3;
	[tilespmem:$0x1FFF0] =	vst v15  }
.LBB2_1:
0x15: {  	[tilespmem:s4], [sflag:$0x5] =	stream.linear.gather [hbm4b:s6+s4], $0x200, $0x38;
	[tilespmem:$0x10500] =	vst v63  }
0x16: {  	_ =	swait.ge [sflag:s9], $0x200  }
0x17: {  	[sflag:s9] =	ssyncset.done $0x0  }
0x18: {  	[sflag:s9] =	ssyncadd.s32 $0xFFFFFE00  }
0x19: {  	[tilespmem:s11], [sflag:$0x1] =	stream.indirect.gather [hbm4b:s0+s10], $0x80, s4, s10, $0xb8;
	[tilespmem:$0x10500] =	vst v63  }
0x1a: {  	_ = 	snop  }
0x1b: {  	[tilespmem:s12], [sflag:$0x2] =	stream.indirect.gather [hbm4b:s0+s10], $0x80, s10, s10, $0xb8;
	[tilespmem:$0x10500] =	vst v63  }
0x1c: {  	_ = 	snop  }
0x1d: {  	[tilespmem:s14], [sflag:$0x3] =	stream.indirect.gather [hbm4b:s0+s10], $0x80, s13, s10, $0xb8;
	[tilespmem:$0x10500] =	vst v63  }
0x1e: {  	_ = 	snop  }
0x1f: {  	[tilespmem:s16], [sflag:$0x4] =	stream.indirect.gather [hbm4b:s0+s10], $0x80, s15, s10, $0xb8;
	[tilespmem:$0x10500] =	vst v63  }
0x20: {  	_ = 	snop  }
0x21: {  	[tilespmem:s17], [sflag:$0x5] =	stream.linear.gather [hbm4b:s1+s4], $0x80, $0x38;
	[tilespmem:$0x10500] =	vst v63  }
0x22: {  	_ =	swait.ge [sflag:s9], $0x80  }
0x23: {  	[sflag:s9] =	ssyncset.done $0x0  }
0x24: {  	[sflag:s9] =	ssyncadd.s32 $0xFFFFFF80  }
0x25: {  	[tilespmem:s18], [sflag:$0x5] =	stream.linear.gather [hbm4b:s2+s4], $0x1, $0x38;
	[tilespmem:$0x10500] =	vst v63  }
0x26: {  	_ =	swait.ge [sflag:s9], $0x1  }
0x27: {  	[sflag:s9] =	ssyncset.done $0x0  }
0x28: {  	[sflag:s9] =	ssyncadd.s32 $0xFFFFFFFF  }
0x29: {  	v5 =	vld [tilespmem:$0x10200]  }
0x2a: {  	v13 =	vld [tilespmem:$0x10280]  }
0x2b: {  	v6 =	vld [tilespmem:$0x10210]  }
0x2c: {  	v7 =	vld [tilespmem:$0x10220]  }
0x2d: {  	v8 =	vld [tilespmem:$0x10230]  }
0x2e: {  	v0 =	vimm.s32 $0x0;
	v9 =	vld [tilespmem:$0x10240]  }
0x2f: {  	v10 =	vld [tilespmem:$0x10250];
	v0 =	vperm.xlane v13, v0  }
0x30: {  	v11 =	vld [tilespmem:$0x10260]  }
0x31: {  	s21 =	simm.s32 $0x600;
	s22 =	simm.s32 $0x10300;
	s23 =	simm.s32 $0x0;
	v12 =	vld [tilespmem:$0x10270];
	[tilespmem:$0x1FFE0] =	vst v0  }
.LBB2_2:
0x32: {  	s24 =	sand.u32 $0x7, s23  }
0x33: {  	p0 =	sne.s32 s24, $0x0  }
0x34: {  	s24 =	sshrl.u32 @!p0 s23, $0x3  }
0x35: {  	s24 =	sadd.s32 @!p0 $0x1, s24  }
0x36: {  	_ =	swait.ge @!p0 [sflag:s24], $0x4000  }
0x37: {  	[sflag:s24] =	ssyncset.done @!p0 $0x0  }
0x38: {  	[sflag:s24] =	ssyncadd.s32 @!p0 $0xFFFFC000  }
0x39: {  	v14 =	vld [tilespmem:s21+$0xFFFFFC00]  }
0x3a: {  	v15 =	vld [tilespmem:s21+$0xFFFFFC10]  }
0x3b: {  	v16 =	vld [tilespmem:s21+$0xFFFFFC20]  }
0x3c: {  	v17 =	vld [tilespmem:s21+$0xFFFFFC30]  }
0x3d: {  	v18 =	vld [tilespmem:s21+$0xFFFFFC40]  }
0x3e: {  	v19 =	vld [tilespmem:s21+$0xFFFFFC50]  }
0x3f: {  	v20 =	vld [tilespmem:s21+$0xFFFFFC60]  }
0x40: {  	v21 =	vld [tilespmem:s21+$0xFFFFFC70]  }
0x41: {  	v22 =	vld [tilespmem:s21+$0xFFFFFC80]  }
0x42: {  	v23 =	vld [tilespmem:s21+$0xFFFFFC90]  }
0x43: {  	v24 =	vld [tilespmem:s21+$0xFFFFFCA0]  }
0x44: {  	v25 =	vld [tilespmem:s21+$0xFFFFFCB0]  }
0x45: {  	v26 =	vld [tilespmem:s21+$0xFFFFFCC0]  }
0x46: {  	v27 =	vld [tilespmem:s21+$0xFFFFFCD0]  }
0x47: {  	v28 =	vld [tilespmem:s21+$0xFFFFFCE0]  }
0x48: {  	v29 =	vld [tilespmem:s21+$0xFFFFFCF0]  }
0x49: {  	v30 =	vld [tilespmem:s21+$0xFFFFFD00]  }
0x4a: {  	v31 =	vld [tilespmem:s21+$0xFFFFFD10]  }
0x4b: {  	v32 =	vld [tilespmem:s21+$0xFFFFFD20]  }
0x4c: {  	v33 =	vld [tilespmem:s21+$0xFFFFFD30]  }
0x4d: {  	v34 =	vld [tilespmem:s21+$0xFFFFFD40]  }
0x4e: {  	v35 =	vld [tilespmem:s21+$0xFFFFFD50]  }
0x4f: {  	v36 =	vld [tilespmem:s21+$0xFFFFFD60]  }
0x50: {  	v37 =	vld [tilespmem:s21+$0xFFFFFD70]  }
0x51: {  	v38 =	vld [tilespmem:s21+$0xFFFFFD80]  }
0x52: {  	v39 =	vld [tilespmem:s21+$0xFFFFFD90]  }
0x53: {  	v40 =	vld [tilespmem:s21+$0xFFFFFDA0]  }
0x54: {  	v41 =	vld [tilespmem:s21+$0xFFFFFDB0]  }
0x55: {  	v42 =	vld [tilespmem:s21+$0xFFFFFDC0]  }
0x56: {  	v43 =	vld [tilespmem:s21+$0xFFFFFDD0]  }
0x57: {  	v44 =	vld [tilespmem:s21+$0xFFFFFDE0]  }
0x58: {  	v45 =	vld [tilespmem:s21+$0xFFFFFDF0]  }
0x59: {  	v46 =	vld [tilespmem:s21+$0xFFFFFE00]  }
0x5a: {  	v47 =	vld [tilespmem:s21+$0xFFFFFE10]  }
0x5b: {  	v48 =	vld [tilespmem:s21+$0xFFFFFE20]  }
0x5c: {  	v49 =	vld [tilespmem:s21+$0xFFFFFE30]  }
0x5d: {  	v50 =	vld [tilespmem:s21+$0xFFFFFE40]  }
0x5e: {  	v51 =	vld [tilespmem:s21+$0xFFFFFE50]  }
0x5f: {  	v52 =	vld [tilespmem:s21+$0xFFFFFE60]  }
0x60: {  	v53 =	vld [tilespmem:s21+$0xFFFFFE70]  }
0x61: {  	v54 =	vld [tilespmem:s21+$0xFFFFFE80]  }
0x62: {  	v55 =	vld [tilespmem:s21+$0xFFFFFE90]  }
0x63: {  	v56 =	vld [tilespmem:s21+$0xFFFFFEA0]  }
0x64: {  	v57 =	vld [tilespmem:s21+$0xFFFFFEB0]  }
0x65: {  	v58 =	vld [tilespmem:s21+$0xFFFFFEC0]  }
0x66: {  	v59 =	vld [tilespmem:s21+$0xFFFFFED0]  }
0x67: {  	v0 =	vld [tilespmem:s21+$0xFFFFFF20]  }
0x68: {  	v13 =	vld [tilespmem:s21+$0xFFFFFF30]  }
0x69: {  	v60 =	vld [tilespmem:s21+$0xFFFFFEE0];
	v14 =	vmul.f32 v14, v5;
	v15 =	vmul.f32 v15, v6  }
0x6a: {  	v61 =	vld [tilespmem:s21+$0xFFFFFEF0];
	v16 =	vmul.f32 v16, v7;
	v17 =	vmul.f32 v17, v8  }
0x6b: {  	v62 =	vld [tilespmem:s21+$0xFFFFFF00];
	v18 =	vmul.f32 v18, v9;
	v19 =	vmul.f32 v19, v10  }
0x6c: {  	v63 =	vld [tilespmem:s21+$0xFFFFFF10];
	v20 =	vmul.f32 v20, v11;
	v21 =	vmul.f32 v21, v12  }
0x6d: {  	v4 =	vld [tilespmem:s21+$0xFFFFFF40];
	v0 =	vmul.f32 v0, v7;
	v13 =	vmul.f32 v13, v8  }
0x6e: {  	v14 =	vadd.f32 v15, v14;
	v15 =	vmul.f32 v22, v5;
	v22 =	vmul.f32 v23, v6;
	v23 =	vld [tilespmem:s21+$0xFFFFFF50]  }
0x6f: {  	v16 =	vadd.f32 v17, v16;
	v17 =	vmul.f32 v24, v7;
	v24 =	vmul.f32 v25, v8;
	v25 =	vld [tilespmem:s21+$0xFFFFFF60]  }
0x70: {  	v18 =	vadd.f32 v19, v18;
	v19 =	vmul.f32 v26, v9;
	v26 =	vmul.f32 v27, v10;
	v27 =	vld [tilespmem:s21+$0xFFFFFF70]  }
0x71: {  	v20 =	vadd.f32 v21, v20;
	v21 =	vmul.f32 v28, v11;
	v28 =	vmul.f32 v29, v12;
	v29 =	vld [tilespmem:s21+$0xFFFFFF80]  }
0x72: {  	v0 =	vadd.f32 v13, v0;
	v13 =	vld [tilespmem:s21+$0x160]  }
0x73: {  	v15 =	vadd.f32 v22, v15;
	v22 =	vld [tilespmem:s21+$0xFFFFFF90]  }
0x74: {  	v17 =	vadd.f32 v24, v17;
	v19 =	vadd.f32 v26, v19;
	v24 =	vld [tilespmem:s21+$0xFFFFFFA0]  }
0x75: {  	v21 =	vadd.f32 v28, v21;
	v26 =	vadd.f32 v20, v18;
	v20 =	vld [tilespmem:s21+$0xFFFFFFB0]  }
0x76: {  	v14 =	vadd.f32 v16, v14;
	v16 =	vmul.f32 v30, v5;
	v30 =	vmul.f32 v34, v9;
	v34 =	vld [tilespmem:s21+$0x0]  }
0x77: {  	v18 =	vmul.f32 v31, v6;
	v31 =	vmul.f32 v35, v10;
	v35 =	vld [tilespmem:s21+$0x10]  }
0x78: {  	v28 =	vadd.f32 v21, v19;
	v21 =	vld [tilespmem:s21+$0xFFFFFFC0]  }
0x79: {  	v36 =	vmul.f32 v36, v11;
	v37 =	vmul.f32 v37, v12;
	v14 =	vadd.f32 v26, v14;
	v26 =	vld [tilespmem:s21+$0xFFFFFFD0]  }
0x7a: {  	v57 =	vmul.f32 v57, v8;
	v15 =	vadd.f32 v17, v15;
	v17 =	vmul.f32 v32, v7;
	v32 =	vld [tilespmem:s21+$0xFFFFFFF0]  }
0x7b: {  	v58 =	vmul.f32 v58, v9;
	v16 =	vadd.f32 v18, v16;
	v18 =	vadd.f32 v37, v36;
	v37 =	vld [tilespmem:s21+$0x20]  }
0x7c: {  	v4 =	vmul.f32 v4, v9;
	v36 =	vmul.f32 v41, v8;
	v41 =	vld [tilespmem:s21+$0x40]  }
0x7d: {  	v19 =	vmul.f32 v33, v8;
	v33 =	vmul.f32 v40, v7;
	v40 =	vld [tilespmem:s21+$0x70]  }
0x7e: {  	v25 =	vmul.f32 v25, v11;
	v27 =	vmul.f32 v27, v12;
	v15 =	vadd.f32 v28, v15;
	v28 =	vld [tilespmem:s21+$0xFFFFFFE0]  }
0x7f: {  	v17 =	vadd.f32 v19, v17;
	v19 =	vadd.f32 v31, v30;
	v31 =	vmul.f32 v39, v6;
	v39 =	vld [tilespmem:s21+$0x30]  }
0x80: {  	v30 =	vmul.f32 v38, v5;
	v38 =	vmul.f32 v43, v10;
	v43 =	vld [tilespmem:s21+$0x80]  }
0x81: {  	v23 =	vmul.f32 v23, v10;
	v25 =	vadd.f32 v27, v25;
	v27 =	vld [tilespmem:s21+$0x180];
	v18 =	vadd.f32 v18, v19  }
0x82: {  	v19 =	vmul.f32 v44, v11;
	v44 =	vmul.f32 v45, v12;
	v45 =	vadd.f32 v36, v33;
	v33 =	vld [tilespmem:s21+$0x50]  }
0x83: {  	v4 =	vadd.f32 v23, v4;
	v24 =	vmul.f32 v24, v7;
	v20 =	vmul.f32 v20, v8;
	v36 =	vld [tilespmem:s21+$0x60]  }
0x84: {  	v16 =	vadd.f32 v17, v16;
	v17 =	vmul.f32 v42, v9;
	v42 =	vmul.f32 v49, v8;
	v49 =	vld [tilespmem:s21+$0xB0]  }
0x85: {  	v30 =	vadd.f32 v31, v30;
	v31 =	vmul.f32 v46, v5;
	v46 =	vmul.f32 v53, v12;
	v53 =	vld [tilespmem:s21+$0xD0]  }
0x86: {  	v59 =	vmul.f32 v59, v10;
	v60 =	vmul.f32 v60, v11;
	v20 =	vadd.f32 v20, v24;
	v24 =	vld [tilespmem:s21+$0x1B0]  }
0x87: {  	v61 =	vmul.f32 v61, v12;
	v13 =	vmul.f32 v13, v11;
	v4 =	vadd.f32 v25, v4;
	v25 =	vld [tilespmem:s21+$0x1C0]  }
0x88: {  	v22 =	vmul.f32 v22, v6;
	v21 =	vmul.f32 v21, v9;
	v30 =	vadd.f32 v45, v30;
	v45 =	vld [tilespmem:s21+$0x90]  }
0x89: {  	v17 =	vadd.f32 v38, v17;
	v19 =	vadd.f32 v44, v19;
	v38 =	vmul.f32 v47, v6;
	v47 =	vld [tilespmem:s21+$0xA0]  }
0x8a: {  	v16 =	vadd.f32 v18, v16;
	v18 =	vmul.f32 v50, v9;
	v44 =	vmul.f32 v51, v10;
	v51 =	vld [tilespmem:s21+$0xC0]  }
0x8b: {  	v50 =	vld [tilespmem:s21+$0x100];
	v17 =	vadd.f32 v19, v17;
	v19 =	vmul.f32 v48, v7;
	v31 =	vadd.f32 v38, v31  }
0x8c: {  	v38 =	vmul.f32 v54, v5;
	v48 =	vmul.f32 v55, v6;
	v18 =	vadd.f32 v44, v18;
	v55 =	vld [tilespmem:s21+$0xE0]  }
0x8d: {  	v44 =	vadd.f32 v59, v58;
	v59 =	vmul.f32 v63, v6;
	v63 =	vmul.f32 v32, v12;
	v32 =	vld [tilespmem:s21+$0x1A0]  }
0x8e: {  	v26 =	vmul.f32 v26, v10;
	v54 =	vmul.f32 v34, v5;
	v34 =	vld [tilespmem:s21+$0x1D0];
	v17 =	vadd.f32 v17, v30  }
0x8f: {  	v30 =	vmul.f32 v52, v11;
	v19 =	vadd.f32 v42, v19;
	v38 =	vadd.f32 v48, v38;
	v48 =	vld [tilespmem:s21+$0xF0]  }
0x90: {  	v21 =	vadd.f32 v26, v21;
	v58 =	vmul.f32 v62, v5;
	v42 =	vmul.f32 v56, v7;
	v52 =	vld [tilespmem:s21+$0x130]  }
0x91: {  	v62 =	vmul.f32 v28, v11;
	v30 =	vadd.f32 v46, v30;
	v19 =	vadd.f32 v19, v31;
	v31 =	vld [tilespmem:s21+$0x140]  }
0x92: {  	v42 =	vadd.f32 v57, v42;
	v46 =	vadd.f32 v61, v60;
	v61 =	vmul.f32 v29, v5;
	v29 =	vld [tilespmem:s21+$0x170]  }
0x93: {  	v27 =	vmul.f32 v27, v5;
	v60 =	vadd.f32 v59, v58;
	v58 =	vmul.f32 v39, v8;
	v39 =	vld [tilespmem:s21+$0x200]  }
0x94: {  	v24 =	vmul.f32 v24, v8;
	v18 =	vadd.f32 v30, v18;
	v30 =	vld [tilespmem:s21+$0x110];
	v56 =	vadd.f32 v42, v38  }
0x95: {  	v59 =	vmul.f32 v36, v11;
	v57 =	vadd.f32 v46, v44;
	v42 =	vld [tilespmem:s21+$0x120];
	v0 =	vadd.f32 v0, v60  }
0x96: {  	v44 =	vld [tilespmem:s21+$0x150];
	v22 =	vadd.f32 v22, v61;
	v60 =	vmul.f32 v40, v12;
	v61 =	vmul.f32 v43, v5  }
0x97: {  	v38 =	vld [tilespmem:s21+$0x190];
	v46 =	vadd.f32 v63, v62;
	v62 =	vmul.f32 v45, v6;
	v63 =	vmul.f32 v47, v7  }
0x98: {  	v45 =	vld [tilespmem:s21+$0x220];
	v48 =	vmul.f32 v48, v12;
	v18 =	vadd.f32 v18, v19;
	v19 =	vadd.f32 v57, v56  }
0x99: {  	v47 =	vld [tilespmem:s21+$0x390];
	v22 =	vadd.f32 v20, v22;
	v56 =	vmul.f32 v35, v6;
	v21 =	vadd.f32 v46, v21  }
0x9a: {  	v57 =	vmul.f32 v37, v7;
	v37 =	vld [tilespmem:s21+$0x1E0];
	v20 =	vadd.f32 v4, v0;
	v0 =	vmul.f32 v41, v9  }
0x9b: {  	v4 =	vmul.f32 v33, v10;
	v33 =	vld [tilespmem:s21+$0x1F0];
	v28 =	vadd.f32 v62, v61;
	v46 =	vmul.f32 v32, v7  }
0x9c: {  	v41 =	vld [tilespmem:s21+$0x210];
	v31 =	vmul.f32 v31, v9;
	v29 =	vmul.f32 v29, v12;
	v21 =	vadd.f32 v21, v22  }
0x9d: {  	v62 =	vld [tilespmem:s21+$0x270];
	v26 =	vadd.f32 v56, v54;
	v23 =	vadd.f32 v58, v57;
	v54 =	vmul.f32 v49, v8  }
0x9e: {  	v32 =	vld [tilespmem:s21+$0x2E0];
	v0 =	vadd.f32 v4, v0;
	v4 =	vmul.f32 v51, v9;
	v56 =	vmul.f32 v53, v10  }
0x9f: {  	v57 =	vld [tilespmem:s21+$0x230];
	v22 =	vadd.f32 v60, v59;
	v58 =	vmul.f32 v55, v11;
	v30 =	vmul.f32 v30, v6  }
0xa0: {  	v60 =	vld [tilespmem:s21+$0x250];
	v24 =	vadd.f32 v24, v46;
	v44 =	vmul.f32 v44, v10;
	v38 =	vmul.f32 v38, v6  }
0xa1: {  	v13 =	vadd.f32 v29, v13;
	v29 =	vld [tilespmem:s21+$0x310];
	v55 =	vmul.f32 v45, v7;
	v35 =	vadd.f32 v54, v63  }
0xa2: {  	v4 =	vadd.f32 v56, v4;
	v36 =	vadd.f32 v48, v58;
	v48 =	vmul.f32 v34, v10;
	v34 =	vld [tilespmem:s21+$0x2F0]  }
0xa3: {  	v23 =	vadd.f32 v23, v26;
	v0 =	vadd.f32 v22, v0;
	v63 =	vmul.f32 v52, v8;
	v54 =	vld [tilespmem:s21+$0x330]  }
0xa4: {  	v52 =	vmul.f32 v39, v5;
	v58 =	vld [tilespmem:s21+$0x350];
	v39 =	vperm.xlane v20, v1;
	v31 =	vadd.f32 v44, v31  }
0xa5: {  	v44 =	vld [tilespmem:s21+$0x2D0];
	v33 =	vmul.f32 v33, v12;
	v27 =	vadd.f32 v38, v27;
	v53 =	vmul.f32 v41, v6  }
0xa6: {  	v26 =	vmul.f32 v62, v12;
	v32 =	vmul.f32 v32, v11;
	v28 =	vadd.f32 v35, v28;
	v35 =	vld [tilespmem:s21+$0x280]  }
0xa7: {  	v4 =	vadd.f32 v36, v4;
	v22 =	vadd.f32 v0, v23;
	v0 =	vmul.f32 v50, v5;
	v36 =	vld [tilespmem:s21+$0x290]  }
0xa8: {  	v50 =	vmul.f32 v37, v11;
	v37 =	vld [tilespmem:s21+$0x300];
	v13 =	vadd.f32 v13, v31;
	v24 =	vadd.f32 v24, v27  }
0xa9: {  	v31 =	vld [tilespmem:s21+$0x320];
	v56 =	vmul.f32 v57, v8;
	v40 =	vmul.f32 v60, v10;
	v23 =	vadd.f32 v4, v28  }
0xaa: {  	v57 =	vld [tilespmem:s21+$0x340];
	v4 =	vmul.f32 v42, v7;
	v0 =	vadd.f32 v30, v0;
	v29 =	vmul.f32 v29, v6  }
0xab: {  	v30 =	vld [tilespmem:s21+$0x2B0];
	v51 =	vadd.f32 v33, v50;
	v34 =	vmul.f32 v34, v12;
	v54 =	vmul.f32 v54, v8  }
0xac: {  	v28 =	vld [tilespmem:s21+$0x2C0];
	v4 =	vadd.f32 v63, v4;
	v50 =	vmul.f32 v44, v10;
	v63 =	vmul.f32 v35, v5  }
0xad: {  	v59 =	vld [tilespmem:s21+$0x240];
	v27 =	vadd.f32 v53, v52;
	v46 =	vmul.f32 v36, v6;
	v37 =	vmul.f32 v37, v5  }
0xae: {  	v61 =	vld [tilespmem:s21+$0x260];
	v36 =	vmul.f32 v47, v6;
	v0 =	vadd.f32 v4, v0;
	v4 =	vmul.f32 v25, v9  }
0xaf: {  	v42 =	vld [tilespmem:s21+$0x2A0];
	v25 =	vadd.f32 v56, v55;
	v31 =	vmul.f32 v31, v7;
	v56 =	vmul.f32 v57, v9  }
0xb0: {  	v49 =	vld [tilespmem:s21+$0x3A0];
	v32 =	vadd.f32 v34, v32;
	v57 =	vmul.f32 v58, v10;
	v30 =	vmul.f32 v30, v8  }
0xb1: {  	v62 =	vld [tilespmem:s21+$0x380];
	v28 =	vmul.f32 v28, v9;
	v29 =	vadd.f32 v29, v37;
	v37 =	vperm.xlane v19, v1  }
0xb2: {  	v58 =	vld [tilespmem:s21+$0x3F0];
	v4 =	vadd.f32 v48, v4;
	v0 =	vadd.f32 v13, v0;
	v13 =	vmul.f32 v59, v9  }
0xb3: {  	v60 =	vld [tilespmem:s21+$0x360];
	v59 =	vmul.f32 v61, v11;
	v25 =	vadd.f32 v25, v27;
	v27 =	vadd.f32 v46, v63  }
0xb4: {  	v53 =	vld [tilespmem:s21+$0x3D0];
	v48 =	vmul.f32 v42, v7;
	v31 =	vadd.f32 v54, v31;
	v28 =	vadd.f32 v50, v28  }
0xb5: {  	v55 =	vld [tilespmem:s21+$0x3E0];
	v42 =	vperm.xlane v23, v1;
	v38 =	vadd.f32 v37, v19;
	v4 =	vadd.f32 v51, v4  }
0xb6: {  	v61 =	vld [tilespmem:s21+$0x370];
	v13 =	vadd.f32 v40, v13;
	v29 =	vadd.f32 v31, v29;
	v40 =	vperm.xlane v21, v1  }
0xb7: {  	v52 =	vld [tilespmem:s21+$0x3C0];
	v43 =	vperm.xlane v0, v1;
	v44 =	vadd.f32 v42, v23;
	v63 =	vmul.f32 v58, v12  }
0xb8: {  	v4 =	vadd.f32 v4, v24;
	v24 =	vadd.f32 v26, v59;
	v59 =	vmul.f32 v60, v11  }
0xb9: {  	v51 =	vld [tilespmem:s21+$0x3B0];
	v28 =	vadd.f32 v32, v28;
	v26 =	vmul.f32 v62, v5;
	v60 =	vmul.f32 v49, v7  }
0xba: {  	v62 =	vmul.f32 v55, v11;
	v19 =	vadd.f32 v40, v21;
	v0 =	vadd.f32 v43, v0  }
0xbb: {  	v33 =	vmul.f32 v61, v12;
	v61 =	vmul.f32 v53, v10;
	v13 =	vadd.f32 v24, v13  }
0xbc: {  	v24 =	vadd.f32 v30, v48;
	v30 =	vmul.f32 v52, v9;
	v26 =	vadd.f32 v36, v26  }
0xbd: {  	v45 =	vperm.xlane v4, v1;
	v32 =	vadd.f32 v33, v59;
	v33 =	vadd.f32 v63, v62  }
0xbe: {  	v35 =	vmul.f32 v51, v8;
	v24 =	vadd.f32 v24, v27;
	v27 =	vadd.f32 v57, v56  }
0xbf: {  	v41 =	vperm.xlane v22, v1;
	v30 =	vadd.f32 v61, v30;
	v13 =	vadd.f32 v13, v25  }
0xc0: {  	v36 =	vperm.xlane v18, v1;
	v4 =	vadd.f32 v45, v4;
	v34 =	vadd.f32 v35, v60  }
0xc1: {  	v35 =	vperm.xlane v17, v1;
	v27 =	vadd.f32 v32, v27;
	v30 =	vadd.f32 v33, v30  }
0xc2: {  	v24 =	vadd.f32 v28, v24;
	v32 =	vperm.xlane v14, v1;
	v33 =	vperm.xlane v15, v1  }
0xc3: {  	v46 =	vperm.xlane v13, v1;
	v0 =	vsel vm0, v0, v4;
	v26 =	vadd.f32 v34, v26  }
0xc4: {  	v34 =	vperm.xlane v16, v1;
	v17 =	vadd.f32 v35, v17;
	v27 =	vadd.f32 v27, v29  }
0xc5: {  	v58 =	vperm.xlane v0, v2;
	v14 =	vadd.f32 v32, v14;
	v15 =	vadd.f32 v33, v15  }
0xc6: {  	v47 =	vperm.xlane v24, v1;
	v13 =	vadd.f32 v46, v13;
	v26 =	vadd.f32 v30, v26  }
0xc7: {  	v16 =	vadd.f32 v34, v16;
	v0 =	vadd.f32 v58, v0;
	v14 =	vsel vm0, v14, v15  }
0xc8: {  	v15 =	vadd.f32 v36, v18;
	v18 =	vadd.f32 v41, v22;
	v48 =	vperm.xlane v27, v1  }
0xc9: {  	v50 =	vadd.f32 v47, v24;
	v16 =	vsel vm0, v16, v17;
	v17 =	vadd.f32 v39, v20  }
0xca: {  	v49 =	vperm.xlane v26, v1;
	v4 =	vperm.xlane v14, v2;
	v15 =	vsel vm0, v15, v38  }
0xcb: {  	v18 =	vsel vm0, v18, v44;
	v51 =	vadd.f32 v48, v27;
	v53 =	vperm.xlane v16, v2  }
0xcc: {  	v13 =	vsel vm0, v13, v50;
	v17 =	vsel vm0, v17, v19;
	v52 =	vadd.f32 v49, v26  }
0xcd: {  	v55 =	vperm.xlane v15, v2;
	v4 =	vadd.f32 v4, v14;
	v57 =	vperm.xlane v18, v2  }
0xce: {  	v59 =	vperm.xlane v13, v2;
	v56 =	vperm.xlane v17, v2;
	v54 =	vsel vm0, v51, v52  }
0xcf: {  	v14 =	vadd.f32 v53, v16;
	v15 =	vadd.f32 v55, v15;
	v60 =	vperm.xlane v54, v2  }
0xd0: {  	v18 =	vadd.f32 v57, v18;
	v16 =	vadd.f32 v56, v17  }
0xd1: {  	v13 =	vadd.f32 v59, v13;
	v4 =	vsel vm1, v4, v14;
	v61 =	vadd.f32 v60, v54  }
0xd2: {  	v0 =	vsel vm1, v18, v0;
	v14 =	vsel vm1, v15, v16;
	v15 =	vperm.xlane v4, v3  }
0xd3: {  	v62 =	vperm.xlane v0, v3;
	v13 =	vsel vm1, v13, v61  }
0xd4: {  	v16 =	vperm.xlane v14, v3;
	v4 =	vadd.f32 v15, v4;
	v15 =	vld [tilespmem:$0x1FFF0];
	v63 =	vperm.xlane v13, v3  }
0xd5: {  	v0 =	vadd.f32 v62, v0  }
0xd6: {  	v14 =	vadd.f32 v16, v14;
	v13 =	vadd.f32 v63, v13;
	_ =	sdelay $0x1  }
0xd7: {  	v4 =	vsel vm2, v4, v14;
	v0 =	vsel vm2, v0, v13  }
0xd8: {  	v13 =	vperm.xlane v4, v15;
	v14 =	vperm.xlane v0, v15;
	_ =	sdelay $0x1  }
0xd9: {  	v4 =	vadd.f32 v13, v4;
	v0 =	vadd.f32 v14, v0;
	_ =	sdelay $0x1  }
0xda: {  	v0 =	vsel vm3, v4, v0;
	v4 =	vld [tilespmem:$0x1FFE0];
	_ =	sdelay $0x4  }
0xdb: {  	v0 =	vadd.f32 v0, v4;
	_ =	sdelay $0x1  }
0xdc: {  	v0 =	vmax.f32 v0, $0.0e+00  }
0xdd: {  	v0 =	vsub.f32 $0.0e+00, v0;
	_ =	sdelay $0x1  }
0xde: {  	v0 =	vmul.f32 $1.442695020e+00, v0;
	_ =	sdelay $0x1  }
0xdf: {  	(erf) = vpow2.f32 v0;
	_ =	sdelay $0x8  }
0xe0: {  	v0 =	vpop (erf)  }
0xe1: {  	v0 =	vadd.f32 $1.000000000e+00, v0;
	_ =	sdelay $0x1  }
0xe2: {  	(erf) = vrcp.f32 v0;
	_ =	sdelay $0x3  }
0xe3: {  	s23 =	sadd.s32 $0x1, s23  }
0xe4: {  	p0 =	sne.s32 s23, $0x20  }
.Ltmp0:
0xe5: {  	_ = 	snop;
	(pc) =	sbr.rel @p0 .LBB2_2-.Ltmp0, $3  }
0xe6: {  	_ =	sdelay $0x1  }
0xe7: {  	v0 =	vpop (erf)  }
0xe8: {  	s21 =	sadd.s32 $0x800, s21;
	[tilespmem:s22+$0x0] =	vst v0;
	s22 =	sadd.s32 $0x10, s22  }
0xe9: {  	s20 =	sadd.s32 $0x1, s20  }
0xea: {  	p0 =	sne.s32 s20, s8  }
.Ltmp1:
0xeb: {  	_ = 	snop;
	(pc) =	sbr.rel @p0 .LBB2_1-.Ltmp1, $4  }
0xec: {  	[hbm4b:s7+s4] =	stream.linear.scatter [tilespmem:s19], [sflag:$0x5], $0x200, $0x38;
	[tilespmem:$0x10500] =	vst v63  }
0xed: {  	_ =	swait.ge [sflag:s9], $0x200  }
0xee: {  	[sflag:s9] =	ssyncset.done $0x0  }
0xef: {  	[sflag:s9] =	ssyncadd.s32 $0xFFFFFE00  }
0xf0: {  	_ =	sfence.sel $0x180000  }
0xf1: {  	[bflag:$0x0] =	sbarrier.arrive $0xFFFF  }
0xf2: {  	p0 =	sne.s32 s5, $0x0;
	_ =	strace $0x90000047  }
0xf3: {  	s0 =	sadd.s32 @!p0 $0x100000, s3;
	[bflag:$0x2] =	sbarrier.arrive $0xFFFF  }
0xf4: {  	[sflag:s0] =	ssyncadd.tile.s32 @!p0 $0x1;
	_ =	shalt  }
.Lfunc_end2:
_tile_overlayer_lowered:
.L_overlay_start_2:
0xf5: {  	(tag) =	ssettag $0x2  }
0xf6: {  	s0 =	rddreg [dreg:$0x0];
	s2 =	stileid.u32  }
0xf7: {  	s1 =	rddreg [dreg:$0x1];
	p0 =	sne.s32 s2, $0x0  }
0xf8: {  	s3 =	rddreg [dreg:$0x2];
	[bflag:$0x3] =	sbarrier.arrive $0xFFFF;
	s2 =	simm.s32 @!p0 $0x1C05  }
0xf9: {  	[timem:s3], [sflag:s2] =	dma.local @!p0 [hbm:s0], s1  }
0xfa: {  	s0 =	simm.s32 @!p0 $0x5  }
0xfb: {  	_ =	swait.ge @!p0 [sflag:s0], s1  }
0xfc: {  	s1 =	ssub.s32 @!p0 $0x0, s1;
	[sflag:s0] =	ssyncset.done @!p0 $0x0  }
0xfd: {  	[sflag:s0] =	ssyncadd.s32 @!p0 s1  }
0xfe: {  	[bflag:$0x3] =	sbarrier.arrive $0xFFFF  }
0xff: {  	_ =	shalt  }

</sc_bundles>
